<compile_context>
chip_gen: v7x
topology: tpu7x:2x2x1
jax: 0.10.2.dev20260603
libtpu: 0.0.44.dev20260713+nightly
codegen_flags: <defaults>
</compile_context>

<pallas_src>
import functools

import jax
import jax.numpy as jnp
from jax import lax
from jax.experimental import pallas as pl
from jax.experimental.pallas import tpu as pltpu
from jax.experimental.pallas import tpu_sc as plsc

VOCAB = 1000000
D = 64
B = 1024
L = 200
EPS = 1e-5

NC = 2
NS = 16
NW = NC * NS
N = B * L
RPW = N // NW
CH = 128
NCH = RPW // CH


def _ln_rows(in_v, b, out_v, pe_v, g, bt, r0):
    g0, g1, g2, g3 = g
    b0, b1, b2, b3 = bt

    @plsc.parallel_loop(0, CH, step=1, unroll=16)
    def _row(i):
        p = lax.rem(r0 + i, L)
        pb = pl.multiple_of(p * D, 64)
        x0 = in_v[b, i, pl.ds(0, 16)] + pe_v[pl.ds(pb, 16)]
        x1 = in_v[b, i, pl.ds(16, 16)] + pe_v[pl.ds(pb + 16, 16)]
        x2 = in_v[b, i, pl.ds(32, 16)] + pe_v[pl.ds(pb + 32, 16)]
        x3 = in_v[b, i, pl.ds(48, 16)] + pe_v[pl.ds(pb + 48, 16)]
        s = (x0 + x1) + (x2 + x3)
        q = (x0 * x0 + x1 * x1) + (x2 * x2 + x3 * x3)
        mean = jnp.sum(s) * (1.0 / D)
        ex2 = jnp.sum(q) * (1.0 / D)
        t = ex2 - mean * mean + EPS
        ti = lax.bitcast_convert_type(t, jnp.int32)
        y = lax.bitcast_convert_type(jnp.int32(0x5F3759DF) - (ti >> 1),
                                     jnp.float32)
        y = y * (1.5 - 0.5 * t * y * y)
        y = y * (1.5 - 0.5 * t * y * y)
        out_v[b, i, pl.ds(0, 16)] = (x0 - mean) * (y * g0) + b0
        out_v[b, i, pl.ds(16, 16)] = (x1 - mean) * (y * g1) + b1
        out_v[b, i, pl.ds(32, 16)] = (x2 - mean) * (y * g2) + b2
        out_v[b, i, pl.ds(48, 16)] = (x3 - mean) * (y * g3) + b3


def _pe_ln(rows_hbm, pe_hbm, gb_hbm, out_hbm,
           in_v, out_v, pe_v, gb_v,
           psem, gsem0, gsem1, ssem0, ssem1):
    wid = lax.axis_index("s") * NC + lax.axis_index("c")
    base = pl.multiple_of(wid * RPW, 256)

    pltpu.async_copy(pe_hbm, pe_v, psem)
    pltpu.async_copy(gb_hbm, gb_v, psem).wait()
    pltpu.make_async_copy(pe_hbm, pe_v, psem).wait()

    g = tuple(gb_v[pl.ds(16 * j, 16)] for j in range(4))
    bt = tuple(gb_v[pl.ds(D + 16 * j, 16)] for j in range(4))

    gsems = (gsem0, gsem1)
    ssems = (ssem0, ssem1)

    def start_fetch(k, b, sem):
        off = pl.multiple_of(base + k * CH, 128)
        pltpu.async_copy(rows_hbm.at[pl.ds(off, CH)], in_v.at[b], sem)

    def wait_fetch(b, sem):
        pltpu.make_async_copy(rows_hbm.at[pl.ds(0, CH)], in_v.at[b],
                              sem).wait()

    def start_scatter(k, b, sem):
        off = pl.multiple_of(base + k * CH, 128)
        pltpu.async_copy(out_v.at[b], out_hbm.at[pl.ds(off, CH)], sem)

    def wait_scatter(b, sem):
        pltpu.make_async_copy(out_v.at[b], out_hbm.at[pl.ds(0, CH)],
                              sem).wait()

    start_fetch(0, 0, gsems[0])

    def step(k, b):
        nb = 1 - b

        @pl.when(k + 1 < NCH)
        def _prefetch():
            @pl.when(k >= 1)
            def _drain():
                wait_scatter(nb, ssems[nb])
            start_fetch(k + 1, nb, gsems[nb])

        wait_fetch(b, gsems[b])
        r0 = lax.rem(k * CH, L)
        _ln_rows(in_v, b, out_v, pe_v, g, bt, r0)
        start_scatter(k, b, ssems[b])

    def pair(p, _):
        step(2 * p, 0)
        step(2 * p + 1, 1)
        return 0

    lax.fori_loop(0, NCH // 2, pair, 0)
    wait_scatter(0, ssems[0])
    wait_scatter(1, ssems[1])


@jax.jit
def _run(rows, pe_flat, gb):
    mesh = plsc.VectorSubcoreMesh(core_axis_name="c", subcore_axis_name="s")
    return pl.kernel(
        _pe_ln,
        out_type=jax.ShapeDtypeStruct((N, D), jnp.float32),
        mesh=mesh,
        scratch_types=[
            pltpu.VMEM((2, CH, D), jnp.float32),
            pltpu.VMEM((2, CH, D), jnp.float32),
            pltpu.VMEM((L * D,), jnp.float32),
            pltpu.VMEM((2 * D,), jnp.float32),
            pltpu.SemaphoreType.DMA,
            pltpu.SemaphoreType.DMA,
            pltpu.SemaphoreType.DMA,
            pltpu.SemaphoreType.DMA,
            pltpu.SemaphoreType.DMA,
        ],
        compiler_params=pltpu.CompilerParams(needs_layout_passes=False),
    )(rows, pe_flat, gb)


def kernel(token_ids, table, gamma, beta, pe):
    ids = token_ids.astype(jnp.int32).reshape(-1)
    dnums = lax.GatherDimensionNumbers(
        offset_dims=(1,), collapsed_slice_dims=(0,), start_index_map=(0,))
    rows = lax.gather(table, ids[:, None], dnums, slice_sizes=(1, D),
                      mode=lax.GatherScatterMode.PROMISE_IN_BOUNDS)
    pe_flat = pe[0, :L, :].astype(jnp.float32).reshape(-1)
    gb = jnp.concatenate([gamma, beta]).astype(jnp.float32)
    out = _run(rows, pe_flat, gb)
    return out.reshape(B, L, D)

# --- scband reference (transcript-rebuilt; emitter-appended) ---
"""Pipeline reference for scband-embedder-66975720013845 (READ-ONLY COPY).

The authoritative reference and input builder live on the scoring server;
editing this copy changes nothing except your own understanding.
"""

import math
import jax, jax.numpy as jnp
import numpy as np

VOCAB = 1000000
D_MODEL = 64
MAX_LEN = 512
B = 1024
L = 200
EPS = 1e-5


def _make_pe(max_len, d_model):
    wavelength = 10000.0
    pe = np.zeros((max_len, d_model), dtype=np.float32)
    pos = np.arange(0, max_len, dtype=np.float32)[:, None]
    div = np.exp(np.arange(0, d_model, 2, dtype=np.float32) * (-math.log(wavelength) / d_model))
    pe[:, 0::2] = np.sin(pos * div)
    pe[:, 1::2] = np.cos(pos * div)
    return jnp.asarray(pe[None, :, :])  # (1, max_len, d_model)


def setup_inputs(seed: int = 0) -> dict:
    key = jax.random.key(seed)
    k1, k2 = jax.random.split(key, 2)
    token_ids = jax.random.randint(k1, (B, L), 0, VOCAB, dtype=jnp.int64 if jax.config.jax_enable_x64 else jnp.int32)
    table = jax.random.normal(k2, (VOCAB, D_MODEL), dtype=jnp.float32)
    gamma = jnp.ones((D_MODEL,), dtype=jnp.float32)
    beta = jnp.zeros((D_MODEL,), dtype=jnp.float32)
    pe = _make_pe(MAX_LEN, D_MODEL)
    return {"token_ids": token_ids, "table": table, "gamma": gamma, "beta": beta, "pe": pe}


def reference(token_ids, table, gamma, beta, pe):
    # Embedder.embed_ids: token embedding -> positional encoding -> layer norm
    x = jnp.take(table, token_ids, axis=0)                # (B, L, D) gather
    x = x + pe[:, : x.shape[1]]                            # sinusoidal positional encoding
    mean = jnp.mean(x, axis=-1, keepdims=True)
    var = jnp.mean(jnp.square(x - mean), axis=-1, keepdims=True)
    x_hat = (x - mean) / jnp.sqrt(var + EPS)
    return x_hat * gamma + beta

if __name__ == "__main__":
    import jax
    _d = setup_inputs()
    print(jax.jit(kernel)(*tuple(_d.values())))

</pallas_src>

<mosaic_0001>
#map = affine_map<(d0, d1) -> (0, 0)>
#map1 = affine_map<(d0, d1) -> (0)>
module attributes {stable_mosaic.version = 14 : i64} {
  func.func @_pe_ln(%arg0: i32, %arg1: i32, %arg2: memref<204800x64xf32, #tpu.memory_space<hbm>>, %arg3: memref<12800xf32, #tpu.memory_space<hbm>>, %arg4: memref<128xf32, #tpu.memory_space<hbm>>, %arg5: memref<204800x64xf32, #tpu.memory_space<hbm>>, %arg6: memref<2x128x64xf32, #tpu.memory_space<vmem>>, %arg7: memref<2x128x64xf32, #tpu.memory_space<vmem>>, %arg8: memref<12800xf32, #tpu.memory_space<vmem>>, %arg9: memref<128xf32, #tpu.memory_space<vmem>>, %arg10: memref<!tpu.dma_semaphore, #tpu.memory_space<semaphore_mem>>, %arg11: memref<!tpu.dma_semaphore, #tpu.memory_space<semaphore_mem>>, %arg12: memref<!tpu.dma_semaphore, #tpu.memory_space<semaphore_mem>>, %arg13: memref<!tpu.dma_semaphore, #tpu.memory_space<semaphore_mem>>, %arg14: memref<!tpu.dma_semaphore, #tpu.memory_space<semaphore_mem>>) attributes {dimension_semantics = [#tpu.dimension_semantics<core_parallel>, #tpu.dimension_semantics<subcore_parallel>], iteration_bounds = array<i64: 2, 16>, scalar_prefetch = 0 : i64, scratch_operands = 9 : i64, tpu.core_type = #tpu.core_type<sc_vector_subcore>, window_params = [{transform_indices = #map}, {transform_indices = #map1}, {transform_indices = #map1}, {transform_indices = #map}]} {
    %mul3A = arith.constant 2 : i32
    %mul3A_0 = arith.muli %arg1, %mul3A : i32
    %add3A = arith.addi %mul3A_0, %arg0 : i32
    %mul3A_1 = arith.constant 6400 : i32
    %mul3A_2 = arith.muli %add3A, %mul3A_1 : i32
    %multiple_of3A = tpu.assume_multiple %mul3A_2, 256 : i32
    tpu.enqueue_dma source(%arg3 : memref<12800xf32, #tpu.memory_space<hbm>>) target(%arg8 : memref<12800xf32, #tpu.memory_space<vmem>>) target_semaphore(%arg10 : memref<!tpu.dma_semaphore, #tpu.memory_space<semaphore_mem>>)
    tpu.enqueue_dma source(%arg4 : memref<128xf32, #tpu.memory_space<hbm>>) target(%arg9 : memref<128xf32, #tpu.memory_space<vmem>>) target_semaphore(%arg10 : memref<!tpu.dma_semaphore, #tpu.memory_space<semaphore_mem>>)
    tpu.wait_dma2 semaphore(%arg10 : memref<!tpu.dma_semaphore, #tpu.memory_space<semaphore_mem>>) src(%arg4 : memref<128xf32, #tpu.memory_space<hbm>>) dst(%arg9 : memref<128xf32, #tpu.memory_space<vmem>>)
    tpu.wait_dma2 semaphore(%arg10 : memref<!tpu.dma_semaphore, #tpu.memory_space<semaphore_mem>>) src(%arg3 : memref<12800xf32, #tpu.memory_space<hbm>>) dst(%arg8 : memref<12800xf32, #tpu.memory_space<vmem>>)
    %get3A = arith.constant 0 : index
    %get3A_3 = tpu.vector_load %arg9[%get3A] {strides = array<i32>} : memref<128xf32, #tpu.memory_space<vmem>>, vector<16xf32>,
    %get3A_4 = arith.constant 16 : index
    %get3A_5 = tpu.vector_load %arg9[%get3A_4] {strides = array<i32>} : memref<128xf32, #tpu.memory_space<vmem>>, vector<16xf32>,
    %get3A_6 = arith.constant 32 : index
    %get3A_7 = tpu.vector_load %arg9[%get3A_6] {strides = array<i32>} : memref<128xf32, #tpu.memory_space<vmem>>, vector<16xf32>,
    %get3A_8 = arith.constant 48 : index
    %get3A_9 = tpu.vector_load %arg9[%get3A_8] {strides = array<i32>} : memref<128xf32, #tpu.memory_space<vmem>>, vector<16xf32>,
    %get3A_10 = arith.constant 64 : index
    %get3A_11 = tpu.vector_load %arg9[%get3A_10] {strides = array<i32>} : memref<128xf32, #tpu.memory_space<vmem>>, vector<16xf32>,
    %get3A_12 = arith.constant 80 : index
    %get3A_13 = tpu.vector_load %arg9[%get3A_12] {strides = array<i32>} : memref<128xf32, #tpu.memory_space<vmem>>, vector<16xf32>,
    %get3A_14 = arith.constant 96 : index
    %get3A_15 = tpu.vector_load %arg9[%get3A_14] {strides = array<i32>} : memref<128xf32, #tpu.memory_space<vmem>>, vector<16xf32>,
    %get3A_16 = arith.constant 112 : index
    %get3A_17 = tpu.vector_load %arg9[%get3A_16] {strides = array<i32>} : memref<128xf32, #tpu.memory_space<vmem>>, vector<16xf32>,
    %add3A_18 = arith.constant 0 : i32
    %add3A_19 = arith.addi %multiple_of3A, %add3A_18 : i32
    %multiple_of3A_20 = tpu.assume_multiple %add3A_19, 128 : i32
    %dma_start3A = arith.constant 0 : i32
    %dma_start3A_21 = arith.constant 0 : i32
    %dma_start3A_22 = arith.constant 0 : i32
    %dma_start3A_23 = tpu.memref_slice %arg6[%dma_start3A, %dma_start3A_21, %dma_start3A_22] : memref<2x128x64xf32, #tpu.memory_space<vmem>> -> memref<1x128x64xf32, #tpu.memory_space<vmem>>
    %dma_start3A_24 = tpu.memref_squeeze %dma_start3A_23 : memref<1x128x64xf32, #tpu.memory_space<vmem>> -> memref<128x64xf32, #tpu.memory_space<vmem>>
    %dma_start3A_25 = arith.constant 0 : i32
    %dma_start3A_26 = tpu.memref_slice %arg2[%multiple_of3A_20, %dma_start3A_25] : memref<204800x64xf32, #tpu.memory_space<hbm>> -> memref<128x64xf32, #tpu.memory_space<hbm>>
    %dma_start3A_27 = arith.constant 0 : i32
    %dma_start3A_28 = arith.constant 0 : i32
    %dma_start3A_29 = tpu.memref_slice %arg6[%dma_start3A, %dma_start3A_27, %dma_start3A_28] : memref<2x128x64xf32, #tpu.memory_space<vmem>> -> memref<1x128x64xf32, #tpu.memory_space<vmem>>
    %dma_start3A_30 = tpu.memref_squeeze %dma_start3A_29 : memref<1x128x64xf32, #tpu.memory_space<vmem>> -> memref<128x64xf32, #tpu.memory_space<vmem>>
    %dma_start3A_31 = arith.constant 0 : i32
    %dma_start3A_32 = tpu.memref_slice %arg2[%multiple_of3A_20, %dma_start3A_31] : memref<204800x64xf32, #tpu.memory_space<hbm>> -> memref<128x64xf32, #tpu.memory_space<hbm>>
    tpu.enqueue_dma source(%dma_start3A_32 : memref<128x64xf32, #tpu.memory_space<hbm>>) target(%dma_start3A_30 : memref<128x64xf32, #tpu.memory_space<vmem>>) target_semaphore(%arg11 : memref<!tpu.dma_semaphore, #tpu.memory_space<semaphore_mem>>)
    %scan3A = arith.constant 0 : i32
    %scan3A_33 = arith.constant 0 : i32
    %scan3A_34 = arith.constant 25 : i32
    %scan3A_35 = arith.addi %scan3A_33, %scan3A_34 : i32
    %scan3A_36 = arith.constant 1 : i32
    %scan3A_37 = scf.for %scan3A_68 = %scan3A_33 to %scan3A_35 step %scan3A_36 iter_args(%scan3A_69 = %scan3A) -> (i32)  : i32 {
      %mul3A_70 = arith.constant 2 : i32
      %mul3A_71 = arith.muli %mul3A_70, %scan3A_68 : i32
      %add3A_72 = arith.constant 1 : i32
      %add3A_73 = arith.addi %mul3A_71, %add3A_72 : i32
      %lt3A = arith.constant 50 : i32
      %lt3A_74 = arith.cmpi slt, %add3A_73, %lt3A : i32
      %convert_element_type3A = arith.extui %lt3A_74 : i1 to i32
      %cond3A = arith.constant 0 : i32
      %cond3A_75 = arith.cmpi ne, %convert_element_type3A, %cond3A : i32
      scf.if %cond3A_75 {
        %ge3A = arith.constant 1 : i32
        %ge3A_164 = arith.cmpi sge, %mul3A_71, %ge3A : i32
        %convert_element_type3A_165 = arith.extui %ge3A_164 : i1 to i32
        %cond3A_166 = arith.constant 0 : i32
        %cond3A_167 = arith.cmpi ne, %convert_element_type3A_165, %cond3A_166 : i32
        scf.if %cond3A_167 {
          %dma_wait3A_187 = arith.constant 1 : i32
          %dma_wait3A_188 = arith.constant 0 : i32
          %dma_wait3A_189 = arith.constant 0 : i32
          %dma_wait3A_190 = tpu.memref_slice %arg7[%dma_wait3A_187, %dma_wait3A_188, %dma_wait3A_189] : memref<2x128x64xf32, #tpu.memory_space<vmem>> -> memref<1x128x64xf32, #tpu.memory_space<vmem>>
          %dma_wait3A_191 = tpu.memref_squeeze %dma_wait3A_190 : memref<1x128x64xf32, #tpu.memory_space<vmem>> -> memref<128x64xf32, #tpu.memory_space<vmem>>
          %dma_wait3A_192 = arith.constant 0 : i32
          %dma_wait3A_193 = arith.constant 0 : i32
          %dma_wait3A_194 = tpu.memref_slice %arg5[%dma_wait3A_192, %dma_wait3A_193] : memref<204800x64xf32, #tpu.memory_space<hbm>> -> memref<128x64xf32, #tpu.memory_space<hbm>>
          %dma_wait3A_195 = arith.constant 0 : i32
          %dma_wait3A_196 = arith.constant 0 : i32
          %dma_wait3A_197 = tpu.memref_slice %arg5[%dma_wait3A_195, %dma_wait3A_196] : memref<204800x64xf32, #tpu.memory_space<hbm>> -> memref<128x64xf32, #tpu.memory_space<hbm>>
          %dma_wait3A_198 = arith.constant 0 : i32
          %dma_wait3A_199 = arith.constant 0 : i32
          %dma_wait3A_200 = tpu.memref_slice %arg7[%dma_wait3A_187, %dma_wait3A_198, %dma_wait3A_199] : memref<2x128x64xf32, #tpu.memory_space<vmem>> -> memref<1x128x64xf32, #tpu.memory_space<vmem>>
          %dma_wait3A_201 = tpu.memref_squeeze %dma_wait3A_200 : memref<1x128x64xf32, #tpu.memory_space<vmem>> -> memref<128x64xf32, #tpu.memory_space<vmem>>
          tpu.wait_dma2 semaphore(%arg14 : memref<!tpu.dma_semaphore, #tpu.memory_space<semaphore_mem>>) src(%dma_wait3A_201 : memref<128x64xf32, #tpu.memory_space<vmem>>) dst(%dma_wait3A_197 : memref<128x64xf32, #tpu.memory_space<hbm>>)
        } else {
        }
        %add3A_168 = arith.constant 1 : i32
        %add3A_169 = arith.addi %mul3A_71, %add3A_168 : i32
        %mul3A_170 = arith.constant 128 : i32
        %mul3A_171 = arith.muli %add3A_169, %mul3A_170 : i32
        %add3A_172 = arith.addi %multiple_of3A, %mul3A_171 : i32
        %multiple_of3A_173 = tpu.assume_multiple %add3A_172, 128 : i32
        %dma_start3A_174 = arith.constant 1 : i32
        %dma_start3A_175 = arith.constant 0 : i32
        %dma_start3A_176 = arith.constant 0 : i32
        %dma_start3A_177 = tpu.memref_slice %arg6[%dma_start3A_174, %dma_start3A_175, %dma_start3A_176] : memref<2x128x64xf32, #tpu.memory_space<vmem>> -> memref<1x128x64xf32, #tpu.memory_space<vmem>>
        %dma_start3A_178 = tpu.memref_squeeze %dma_start3A_177 : memref<1x128x64xf32, #tpu.memory_space<vmem>> -> memref<128x64xf32, #tpu.memory_space<vmem>>
        %dma_start3A_179 = arith.constant 0 : i32
        %dma_start3A_180 = tpu.memref_slice %arg2[%multiple_of3A_173, %dma_start3A_179] : memref<204800x64xf32, #tpu.memory_space<hbm>> -> memref<128x64xf32, #tpu.memory_space<hbm>>
        %dma_start3A_181 = arith.constant 0 : i32
        %dma_start3A_182 = arith.constant 0 : i32
        %dma_start3A_183 = tpu.memref_slice %arg6[%dma_start3A_174, %dma_start3A_181, %dma_start3A_182] : memref<2x128x64xf32, #tpu.memory_space<vmem>> -> memref<1x128x64xf32, #tpu.memory_space<vmem>>
        %dma_start3A_184 = tpu.memref_squeeze %dma_start3A_183 : memref<1x128x64xf32, #tpu.memory_space<vmem>> -> memref<128x64xf32, #tpu.memory_space<vmem>>
        %dma_start3A_185 = arith.constant 0 : i32
        %dma_start3A_186 = tpu.memref_slice %arg2[%multiple_of3A_173, %dma_start3A_185] : memref<204800x64xf32, #tpu.memory_space<hbm>> -> memref<128x64xf32, #tpu.memory_space<hbm>>
        tpu.enqueue_dma source(%dma_start3A_186 : memref<128x64xf32, #tpu.memory_space<hbm>>) target(%dma_start3A_184 : memref<128x64xf32, #tpu.memory_space<vmem>>) target_semaphore(%arg12 : memref<!tpu.dma_semaphore, #tpu.memory_space<semaphore_mem>>)
      } else {
      }
      %dma_wait3A_76 = arith.constant 0 : i32
      %dma_wait3A_77 = arith.constant 0 : i32
      %dma_wait3A_78 = arith.constant 0 : i32
      %dma_wait3A_79 = tpu.memref_slice %arg6[%dma_wait3A_76, %dma_wait3A_77, %dma_wait3A_78] : memref<2x128x64xf32, #tpu.memory_space<vmem>> -> memref<1x128x64xf32, #tpu.memory_space<vmem>>
      %dma_wait3A_80 = tpu.memref_squeeze %dma_wait3A_79 : memref<1x128x64xf32, #tpu.memory_space<vmem>> -> memref<128x64xf32, #tpu.memory_space<vmem>>
      %dma_wait3A_81 = arith.constant 0 : i32
      %dma_wait3A_82 = arith.constant 0 : i32
      %dma_wait3A_83 = tpu.memref_slice %arg2[%dma_wait3A_81, %dma_wait3A_82] : memref<204800x64xf32, #tpu.memory_space<hbm>> -> memref<128x64xf32, #tpu.memory_space<hbm>>
      %dma_wait3A_84 = arith.constant 0 : i32
      %dma_wait3A_85 = arith.constant 0 : i32
      %dma_wait3A_86 = tpu.memref_slice %arg6[%dma_wait3A_76, %dma_wait3A_84, %dma_wait3A_85] : memref<2x128x64xf32, #tpu.memory_space<vmem>> -> memref<1x128x64xf32, #tpu.memory_space<vmem>>
      %dma_wait3A_87 = tpu.memref_squeeze %dma_wait3A_86 : memref<1x128x64xf32, #tpu.memory_space<vmem>> -> memref<128x64xf32, #tpu.memory_space<vmem>>
      %dma_wait3A_88 = arith.constant 0 : i32
      %dma_wait3A_89 = arith.constant 0 : i32
      %dma_wait3A_90 = tpu.memref_slice %arg2[%dma_wait3A_88, %dma_wait3A_89] : memref<204800x64xf32, #tpu.memory_space<hbm>> -> memref<128x64xf32, #tpu.memory_space<hbm>>
      tpu.wait_dma2 semaphore(%arg11 : memref<!tpu.dma_semaphore, #tpu.memory_space<semaphore_mem>>) src(%dma_wait3A_90 : memref<128x64xf32, #tpu.memory_space<hbm>>) dst(%dma_wait3A_87 : memref<128x64xf32, #tpu.memory_space<vmem>>)
      %mul3A_91 = arith.constant 128 : i32
      %mul3A_92 = arith.muli %mul3A_71, %mul3A_91 : i32
      %rem3A = arith.constant 200 : i32
      %rem3A_93 = arith.remsi %mul3A_92, %rem3A : i32
      %parallel_loop3A = arith.constant 0 : i32
      %parallel_loop3A_94 = arith.constant 128 : i32
      %parallel_loop3A_95 = arith.constant 1 : i32
      scf.for %parallel_loop3A_164 = %parallel_loop3A to %parallel_loop3A_94 step %parallel_loop3A_95  : i32 {
        %parallel_loop3A_165 = arith.addi %rem3A_93, %parallel_loop3A_164 : i32
        %parallel_loop3A_166 = arith.constant 200 : i32
        %parallel_loop3A_167 = arith.remsi %parallel_loop3A_165, %parallel_loop3A_166 : i32
        %parallel_loop3A_168 = arith.constant 64 : i32
        %parallel_loop3A_169 = arith.muli %parallel_loop3A_167, %parallel_loop3A_168 : i32
        %parallel_loop3A_170 = tpu.assume_multiple %parallel_loop3A_169, 64 : i32
        %parallel_loop3A_171 = arith.constant 0 : i32
        %parallel_loop3A_172 = arith.index_cast %parallel_loop3A_171 : i32 to index
        %parallel_loop3A_173 = arith.index_cast %parallel_loop3A_164 : i32 to index
        %parallel_loop3A_174 = arith.constant 0 : index
        %parallel_loop3A_175 = tpu.vector_load %arg6[%parallel_loop3A_172, %parallel_loop3A_173, %parallel_loop3A_174] {strides = array<i32>} : memref<2x128x64xf32, #tpu.memory_space<vmem>>, vector<16xf32>,
        %parallel_loop3A_176 = arith.index_cast %parallel_loop3A_170 : i32 to index
        %parallel_loop3A_177 = tpu.vector_load %arg8[%parallel_loop3A_176] {strides = array<i32>} : memref<12800xf32, #tpu.memory_space<vmem>>, vector<16xf32>,
        %parallel_loop3A_178 = arith.addf %parallel_loop3A_175, %parallel_loop3A_177 : vector<16xf32>
        %parallel_loop3A_179 = arith.constant 0 : i32
        %parallel_loop3A_180 = arith.index_cast %parallel_loop3A_179 : i32 to index
        %parallel_loop3A_181 = arith.index_cast %parallel_loop3A_164 : i32 to index
        %parallel_loop3A_182 = arith.constant 16 : index
        %parallel_loop3A_183 = tpu.vector_load %arg6[%parallel_loop3A_180, %parallel_loop3A_181, %parallel_loop3A_182] {strides = array<i32>} : memref<2x128x64xf32, #tpu.memory_space<vmem>>, vector<16xf32>,
        %parallel_loop3A_184 = arith.constant 16 : i32
        %parallel_loop3A_185 = arith.addi %parallel_loop3A_170, %parallel_loop3A_184 : i32
        %parallel_loop3A_186 = arith.index_cast %parallel_loop3A_185 : i32 to index
        %parallel_loop3A_187 = tpu.vector_load %arg8[%parallel_loop3A_186] {strides = array<i32>} : memref<12800xf32, #tpu.memory_space<vmem>>, vector<16xf32>,
        %parallel_loop3A_188 = arith.addf %parallel_loop3A_183, %parallel_loop3A_187 : vector<16xf32>
        %parallel_loop3A_189 = arith.constant 0 : i32
        %parallel_loop3A_190 = arith.index_cast %parallel_loop3A_189 : i32 to index
        %parallel_loop3A_191 = arith.index_cast %parallel_loop3A_164 : i32 to index
        %parallel_loop3A_192 = arith.constant 32 : index
        %parallel_loop3A_193 = tpu.vector_load %arg6[%parallel_loop3A_190, %parallel_loop3A_191, %parallel_loop3A_192] {strides = array<i32>} : memref<2x128x64xf32, #tpu.memory_space<vmem>>, vector<16xf32>,
        %parallel_loop3A_194 = arith.constant 32 : i32
        %parallel_loop3A_195 = arith.addi %parallel_loop3A_170, %parallel_loop3A_194 : i32
        %parallel_loop3A_196 = arith.index_cast %parallel_loop3A_195 : i32 to index
        %parallel_loop3A_197 = tpu.vector_load %arg8[%parallel_loop3A_196] {strides = array<i32>} : memref<12800xf32, #tpu.memory_space<vmem>>, vector<16xf32>,
        %parallel_loop3A_198 = arith.addf %parallel_loop3A_193, %parallel_loop3A_197 : vector<16xf32>
        %parallel_loop3A_199 = arith.constant 0 : i32
        %parallel_loop3A_200 = arith.index_cast %parallel_loop3A_199 : i32 to index
        %parallel_loop3A_201 = arith.index_cast %parallel_loop3A_164 : i32 to index
        %parallel_loop3A_202 = arith.constant 48 : index
        %parallel_loop3A_203 = tpu.vector_load %arg6[%parallel_loop3A_200, %parallel_loop3A_201, %parallel_loop3A_202] {strides = array<i32>} : memref<2x128x64xf32, #tpu.memory_space<vmem>>, vector<16xf32>,
        %parallel_loop3A_204 = arith.constant 48 : i32
        %parallel_loop3A_205 = arith.addi %parallel_loop3A_170, %parallel_loop3A_204 : i32
        %parallel_loop3A_206 = arith.index_cast %parallel_loop3A_205 : i32 to index
        %parallel_loop3A_207 = tpu.vector_load %arg8[%parallel_loop3A_206] {strides = array<i32>} : memref<12800xf32, #tpu.memory_space<vmem>>, vector<16xf32>,
        %parallel_loop3A_208 = arith.addf %parallel_loop3A_203, %parallel_loop3A_207 : vector<16xf32>
        %parallel_loop3A_209 = arith.addf %parallel_loop3A_178, %parallel_loop3A_188 : vector<16xf32>
        %parallel_loop3A_210 = arith.addf %parallel_loop3A_198, %parallel_loop3A_208 : vector<16xf32>
        %parallel_loop3A_211 = arith.addf %parallel_loop3A_209, %parallel_loop3A_210 : vector<16xf32>
        %parallel_loop3A_212 = arith.mulf %parallel_loop3A_178, %parallel_loop3A_178 : vector<16xf32>
        %parallel_loop3A_213 = arith.mulf %parallel_loop3A_188, %parallel_loop3A_188 : vector<16xf32>
        %parallel_loop3A_214 = arith.addf %parallel_loop3A_212, %parallel_loop3A_213 : vector<16xf32>
        %parallel_loop3A_215 = arith.mulf %parallel_loop3A_198, %parallel_loop3A_198 : vector<16xf32>
        %parallel_loop3A_216 = arith.mulf %parallel_loop3A_208, %parallel_loop3A_208 : vector<16xf32>
        %parallel_loop3A_217 = arith.addf %parallel_loop3A_215, %parallel_loop3A_216 : vector<16xf32>
        %parallel_loop3A_218 = arith.addf %parallel_loop3A_214, %parallel_loop3A_217 : vector<16xf32>
        %parallel_loop3A_219 = arith.constant true
        %parallel_loop3A_220 = vector.broadcast %parallel_loop3A_219 : i1 to vector<16xi1>
        %parallel_loop3A_221 = tpu.scan <sum>, %parallel_loop3A_211 masked %parallel_loop3A_220 : vector<16xf32>, vector<16xi1> -> vector<16xf32>
        %parallel_loop3A_222 = vector.extract %parallel_loop3A_221[15] : f32 from vector<16xf32>
        %parallel_loop3A_223 = arith.constant 1.562500e-02 : f32
        %parallel_loop3A_224 = arith.mulf %parallel_loop3A_222, %parallel_loop3A_223 : f32
        %parallel_loop3A_225 = arith.constant true
        %parallel_loop3A_226 = vector.broadcast %parallel_loop3A_225 : i1 to vector<16xi1>
        %parallel_loop3A_227 = tpu.scan <sum>, %parallel_loop3A_218 masked %parallel_loop3A_226 : vector<16xf32>, vector<16xi1> -> vector<16xf32>
        %parallel_loop3A_228 = vector.extract %parallel_loop3A_227[15] : f32 from vector<16xf32>
        %parallel_loop3A_229 = arith.constant 1.562500e-02 : f32
        %parallel_loop3A_230 = arith.mulf %parallel_loop3A_228, %parallel_loop3A_229 : f32
        %parallel_loop3A_231 = arith.mulf %parallel_loop3A_224, %parallel_loop3A_224 : f32
        %parallel_loop3A_232 = arith.subf %parallel_loop3A_230, %parallel_loop3A_231 : f32
        %parallel_loop3A_233 = arith.constant 9.99999974E-6 : f32
        %parallel_loop3A_234 = arith.addf %parallel_loop3A_232, %parallel_loop3A_233 : f32
        %parallel_loop3A_235 = arith.bitcast %parallel_loop3A_234 : f32 to i32
        %parallel_loop3A_236 = arith.constant 1 : i32
        %parallel_loop3A_237 = arith.shrsi %parallel_loop3A_235, %parallel_loop3A_236 : i32
        %parallel_loop3A_238 = arith.constant 1597463007 : i32
        %parallel_loop3A_239 = arith.subi %parallel_loop3A_238, %parallel_loop3A_237 : i32
        %parallel_loop3A_240 = arith.bitcast %parallel_loop3A_239 : i32 to f32
        %parallel_loop3A_241 = arith.constant 5.000000e-01 : f32
        %parallel_loop3A_242 = arith.mulf %parallel_loop3A_241, %parallel_loop3A_234 : f32
        %parallel_loop3A_243 = arith.mulf %parallel_loop3A_242, %parallel_loop3A_240 : f32
        %parallel_loop3A_244 = arith.mulf %parallel_loop3A_243, %parallel_loop3A_240 : f32
        %parallel_loop3A_245 = arith.constant 1.500000e+00 : f32
        %parallel_loop3A_246 = arith.subf %parallel_loop3A_245, %parallel_loop3A_244 : f32
        %parallel_loop3A_247 = arith.mulf %parallel_loop3A_240, %parallel_loop3A_246 : f32
        %parallel_loop3A_248 = arith.constant 5.000000e-01 : f32
        %parallel_loop3A_249 = arith.mulf %parallel_loop3A_248, %parallel_loop3A_234 : f32
        %parallel_loop3A_250 = arith.mulf %parallel_loop3A_249, %parallel_loop3A_247 : f32
        %parallel_loop3A_251 = arith.mulf %parallel_loop3A_250, %parallel_loop3A_247 : f32
        %parallel_loop3A_252 = arith.constant 1.500000e+00 : f32
        %parallel_loop3A_253 = arith.subf %parallel_loop3A_252, %parallel_loop3A_251 : f32
        %parallel_loop3A_254 = arith.mulf %parallel_loop3A_247, %parallel_loop3A_253 : f32
        %parallel_loop3A_255 = vector.broadcast %parallel_loop3A_224 : f32 to vector<16xf32>
        %parallel_loop3A_256 = arith.subf %parallel_loop3A_178, %parallel_loop3A_255 : vector<16xf32>
        %parallel_loop3A_257 = vector.broadcast %parallel_loop3A_254 : f32 to vector<16xf32>
        %parallel_loop3A_258 = arith.mulf %parallel_loop3A_257, %get3A_3 : vector<16xf32>
        %parallel_loop3A_259 = arith.mulf %parallel_loop3A_256, %parallel_loop3A_258 : vector<16xf32>
        %parallel_loop3A_260 = arith.addf %parallel_loop3A_259, %get3A_11 : vector<16xf32>
        %parallel_loop3A_261 = arith.constant 0 : i32
        %parallel_loop3A_262 = arith.index_cast %parallel_loop3A_261 : i32 to index
        %parallel_loop3A_263 = arith.index_cast %parallel_loop3A_164 : i32 to index
        %parallel_loop3A_264 = arith.constant 0 : index
        %parallel_loop3A_265 = tpu.vector_load %arg7[%parallel_loop3A_262, %parallel_loop3A_263, %parallel_loop3A_264] {strides = array<i32>} : memref<2x128x64xf32, #tpu.memory_space<vmem>>, vector<16xf32>,
        tpu.vector_store %arg7[%parallel_loop3A_262, %parallel_loop3A_263, %parallel_loop3A_264], %parallel_loop3A_260 {strides = array<i32>} : memref<2x128x64xf32, #tpu.memory_space<vmem>>, vector<16xf32>,
        %parallel_loop3A_266 = vector.broadcast %parallel_loop3A_224 : f32 to vector<16xf32>
        %parallel_loop3A_267 = arith.subf %parallel_loop3A_188, %parallel_loop3A_266 : vector<16xf32>
        %parallel_loop3A_268 = vector.broadcast %parallel_loop3A_254 : f32 to vector<16xf32>
        %parallel_loop3A_269 = arith.mulf %parallel_loop3A_268, %get3A_5 : vector<16xf32>
        %parallel_loop3A_270 = arith.mulf %parallel_loop3A_267, %parallel_loop3A_269 : vector<16xf32>
        %parallel_loop3A_271 = arith.addf %parallel_loop3A_270, %get3A_13 : vector<16xf32>
        %parallel_loop3A_272 = arith.constant 0 : i32
        %parallel_loop3A_273 = arith.index_cast %parallel_loop3A_272 : i32 to index
        %parallel_loop3A_274 = arith.index_cast %parallel_loop3A_164 : i32 to index
        %parallel_loop3A_275 = arith.constant 16 : index
        %parallel_loop3A_276 = tpu.vector_load %arg7[%parallel_loop3A_273, %parallel_loop3A_274, %parallel_loop3A_275] {strides = array<i32>} : memref<2x128x64xf32, #tpu.memory_space<vmem>>, vector<16xf32>,
        tpu.vector_store %arg7[%parallel_loop3A_273, %parallel_loop3A_274, %parallel_loop3A_275], %parallel_loop3A_271 {strides = array<i32>} : memref<2x128x64xf32, #tpu.memory_space<vmem>>, vector<16xf32>,
        %parallel_loop3A_277 = vector.broadcast %parallel_loop3A_224 : f32 to vector<16xf32>
        %parallel_loop3A_278 = arith.subf %parallel_loop3A_198, %parallel_loop3A_277 : vector<16xf32>
        %parallel_loop3A_279 = vector.broadcast %parallel_loop3A_254 : f32 to vector<16xf32>
        %parallel_loop3A_280 = arith.mulf %parallel_loop3A_279, %get3A_7 : vector<16xf32>
        %parallel_loop3A_281 = arith.mulf %parallel_loop3A_278, %parallel_loop3A_280 : vector<16xf32>
        %parallel_loop3A_282 = arith.addf %parallel_loop3A_281, %get3A_15 : vector<16xf32>
        %parallel_loop3A_283 = arith.constant 0 : i32
        %parallel_loop3A_284 = arith.index_cast %parallel_loop3A_283 : i32 to index
        %parallel_loop3A_285 = arith.index_cast %parallel_loop3A_164 : i32 to index
        %parallel_loop3A_286 = arith.constant 32 : index
        %parallel_loop3A_287 = tpu.vector_load %arg7[%parallel_loop3A_284, %parallel_loop3A_285, %parallel_loop3A_286] {strides = array<i32>} : memref<2x128x64xf32, #tpu.memory_space<vmem>>, vector<16xf32>,
        tpu.vector_store %arg7[%parallel_loop3A_284, %parallel_loop3A_285, %parallel_loop3A_286], %parallel_loop3A_282 {strides = array<i32>} : memref<2x128x64xf32, #tpu.memory_space<vmem>>, vector<16xf32>,
        %parallel_loop3A_288 = vector.broadcast %parallel_loop3A_224 : f32 to vector<16xf32>
        %parallel_loop3A_289 = arith.subf %parallel_loop3A_208, %parallel_loop3A_288 : vector<16xf32>
        %parallel_loop3A_290 = vector.broadcast %parallel_loop3A_254 : f32 to vector<16xf32>
        %parallel_loop3A_291 = arith.mulf %parallel_loop3A_290, %get3A_9 : vector<16xf32>
        %parallel_loop3A_292 = arith.mulf %parallel_loop3A_289, %parallel_loop3A_291 : vector<16xf32>
        %parallel_loop3A_293 = arith.addf %parallel_loop3A_292, %get3A_17 : vector<16xf32>
        %parallel_loop3A_294 = arith.constant 0 : i32
        %parallel_loop3A_295 = arith.index_cast %parallel_loop3A_294 : i32 to index
        %parallel_loop3A_296 = arith.index_cast %parallel_loop3A_164 : i32 to index
        %parallel_loop3A_297 = arith.constant 48 : index
        %parallel_loop3A_298 = tpu.vector_load %arg7[%parallel_loop3A_295, %parallel_loop3A_296, %parallel_loop3A_297] {strides = array<i32>} : memref<2x128x64xf32, #tpu.memory_space<vmem>>, vector<16xf32>,
        tpu.vector_store %arg7[%parallel_loop3A_295, %parallel_loop3A_296, %parallel_loop3A_297], %parallel_loop3A_293 {strides = array<i32>} : memref<2x128x64xf32, #tpu.memory_space<vmem>>, vector<16xf32>,
      } {sc.loop_unroll_factor = 16 : i64, sc.parallel_access}
      %mul3A_96 = arith.constant 128 : i32
      %mul3A_97 = arith.muli %mul3A_71, %mul3A_96 : i32
      %add3A_98 = arith.addi %multiple_of3A, %mul3A_97 : i32
      %multiple_of3A_99 = tpu.assume_multiple %add3A_98, 128 : i32
      %dma_start3A_100 = arith.constant 0 : i32
      %dma_start3A_101 = arith.constant 0 : i32
      %dma_start3A_102 = arith.constant 0 : i32
      %dma_start3A_103 = tpu.memref_slice %arg7[%dma_start3A_100, %dma_start3A_101, %dma_start3A_102] : memref<2x128x64xf32, #tpu.memory_space<vmem>> -> memref<1x128x64xf32, #tpu.memory_space<vmem>>
      %dma_start3A_104 = tpu.memref_squeeze %dma_start3A_103 : memref<1x128x64xf32, #tpu.memory_space<vmem>> -> memref<128x64xf32, #tpu.memory_space<vmem>>
      %dma_start3A_105 = arith.constant 0 : i32
      %dma_start3A_106 = tpu.memref_slice %arg5[%multiple_of3A_99, %dma_start3A_105] : memref<204800x64xf32, #tpu.memory_space<hbm>> -> memref<128x64xf32, #tpu.memory_space<hbm>>
      %dma_start3A_107 = arith.constant 0 : i32
      %dma_start3A_108 = tpu.memref_slice %arg5[%multiple_of3A_99, %dma_start3A_107] : memref<204800x64xf32, #tpu.memory_space<hbm>> -> memref<128x64xf32, #tpu.memory_space<hbm>>
      %dma_start3A_109 = arith.constant 0 : i32
      %dma_start3A_110 = arith.constant 0 : i32
      %dma_start3A_111 = tpu.memref_slice %arg7[%dma_start3A_100, %dma_start3A_109, %dma_start3A_110] : memref<2x128x64xf32, #tpu.memory_space<vmem>> -> memref<1x128x64xf32, #tpu.memory_space<vmem>>
      %dma_start3A_112 = tpu.memref_squeeze %dma_start3A_111 : memref<1x128x64xf32, #tpu.memory_space<vmem>> -> memref<128x64xf32, #tpu.memory_space<vmem>>
      tpu.enqueue_dma source(%dma_start3A_112 : memref<128x64xf32, #tpu.memory_space<vmem>>) target(%dma_start3A_108 : memref<128x64xf32, #tpu.memory_space<hbm>>) target_semaphore(%arg13 : memref<!tpu.dma_semaphore, #tpu.memory_space<semaphore_mem>>)
      %mul3A_113 = arith.constant 2 : i32
      %mul3A_114 = arith.muli %mul3A_113, %scan3A_68 : i32
      %add3A_115 = arith.constant 1 : i32
      %add3A_116 = arith.addi %mul3A_114, %add3A_115 : i32
      %add3A_117 = arith.constant 1 : i32
      %add3A_118 = arith.addi %add3A_116, %add3A_117 : i32
      %lt3A_119 = arith.constant 50 : i32
      %lt3A_120 = arith.cmpi slt, %add3A_118, %lt3A_119 : i32
      %convert_element_type3A_121 = arith.extui %lt3A_120 : i1 to i32
      %cond3A_122 = arith.constant 0 : i32
      %cond3A_123 = arith.cmpi ne, %convert_element_type3A_121, %cond3A_122 : i32
      scf.if %cond3A_123 {
        %ge3A = arith.constant 1 : i32
        %ge3A_164 = arith.cmpi sge, %add3A_116, %ge3A : i32
        %convert_element_type3A_165 = arith.extui %ge3A_164 : i1 to i32
        %cond3A_166 = arith.constant 0 : i32
        %cond3A_167 = arith.cmpi ne, %convert_element_type3A_165, %cond3A_166 : i32
        scf.if %cond3A_167 {
          %dma_wait3A_187 = arith.constant 0 : i32
          %dma_wait3A_188 = arith.constant 0 : i32
          %dma_wait3A_189 = arith.constant 0 : i32
          %dma_wait3A_190 = tpu.memref_slice %arg7[%dma_wait3A_187, %dma_wait3A_188, %dma_wait3A_189] : memref<2x128x64xf32, #tpu.memory_space<vmem>> -> memref<1x128x64xf32, #tpu.memory_space<vmem>>
          %dma_wait3A_191 = tpu.memref_squeeze %dma_wait3A_190 : memref<1x128x64xf32, #tpu.memory_space<vmem>> -> memref<128x64xf32, #tpu.memory_space<vmem>>
          %dma_wait3A_192 = arith.constant 0 : i32
          %dma_wait3A_193 = arith.constant 0 : i32
          %dma_wait3A_194 = tpu.memref_slice %arg5[%dma_wait3A_192, %dma_wait3A_193] : memref<204800x64xf32, #tpu.memory_space<hbm>> -> memref<128x64xf32, #tpu.memory_space<hbm>>
          %dma_wait3A_195 = arith.constant 0 : i32
          %dma_wait3A_196 = arith.constant 0 : i32
          %dma_wait3A_197 = tpu.memref_slice %arg5[%dma_wait3A_195, %dma_wait3A_196] : memref<204800x64xf32, #tpu.memory_space<hbm>> -> memref<128x64xf32, #tpu.memory_space<hbm>>
          %dma_wait3A_198 = arith.constant 0 : i32
          %dma_wait3A_199 = arith.constant 0 : i32
          %dma_wait3A_200 = tpu.memref_slice %arg7[%dma_wait3A_187, %dma_wait3A_198, %dma_wait3A_199] : memref<2x128x64xf32, #tpu.memory_space<vmem>> -> memref<1x128x64xf32, #tpu.memory_space<vmem>>
          %dma_wait3A_201 = tpu.memref_squeeze %dma_wait3A_200 : memref<1x128x64xf32, #tpu.memory_space<vmem>> -> memref<128x64xf32, #tpu.memory_space<vmem>>
          tpu.wait_dma2 semaphore(%arg13 : memref<!tpu.dma_semaphore, #tpu.memory_space<semaphore_mem>>) src(%dma_wait3A_201 : memref<128x64xf32, #tpu.memory_space<vmem>>) dst(%dma_wait3A_197 : memref<128x64xf32, #tpu.memory_space<hbm>>)
        } else {
        }
        %add3A_168 = arith.constant 1 : i32
        %add3A_169 = arith.addi %add3A_116, %add3A_168 : i32
        %mul3A_170 = arith.constant 128 : i32
        %mul3A_171 = arith.muli %add3A_169, %mul3A_170 : i32
        %add3A_172 = arith.addi %multiple_of3A, %mul3A_171 : i32
        %multiple_of3A_173 = tpu.assume_multiple %add3A_172, 128 : i32
        %dma_start3A_174 = arith.constant 0 : i32
        %dma_start3A_175 = arith.constant 0 : i32
        %dma_start3A_176 = arith.constant 0 : i32
        %dma_start3A_177 = tpu.memref_slice %arg6[%dma_start3A_174, %dma_start3A_175, %dma_start3A_176] : memref<2x128x64xf32, #tpu.memory_space<vmem>> -> memref<1x128x64xf32, #tpu.memory_space<vmem>>
        %dma_start3A_178 = tpu.memref_squeeze %dma_start3A_177 : memref<1x128x64xf32, #tpu.memory_space<vmem>> -> memref<128x64xf32, #tpu.memory_space<vmem>>
        %dma_start3A_179 = arith.constant 0 : i32
        %dma_start3A_180 = tpu.memref_slice %arg2[%multiple_of3A_173, %dma_start3A_179] : memref<204800x64xf32, #tpu.memory_space<hbm>> -> memref<128x64xf32, #tpu.memory_space<hbm>>
        %dma_start3A_181 = arith.constant 0 : i32
        %dma_start3A_182 = arith.constant 0 : i32
        %dma_start3A_183 = tpu.memref_slice %arg6[%dma_start3A_174, %dma_start3A_181, %dma_start3A_182] : memref<2x128x64xf32, #tpu.memory_space<vmem>> -> memref<1x128x64xf32, #tpu.memory_space<vmem>>
        %dma_start3A_184 = tpu.memref_squeeze %dma_start3A_183 : memref<1x128x64xf32, #tpu.memory_space<vmem>> -> memref<128x64xf32, #tpu.memory_space<vmem>>
        %dma_start3A_185 = arith.constant 0 : i32
        %dma_start3A_186 = tpu.memref_slice %arg2[%multiple_of3A_173, %dma_start3A_185] : memref<204800x64xf32, #tpu.memory_space<hbm>> -> memref<128x64xf32, #tpu.memory_space<hbm>>
        tpu.enqueue_dma source(%dma_start3A_186 : memref<128x64xf32, #tpu.memory_space<hbm>>) target(%dma_start3A_184 : memref<128x64xf32, #tpu.memory_space<vmem>>) target_semaphore(%arg11 : memref<!tpu.dma_semaphore, #tpu.memory_space<semaphore_mem>>)
      } else {
      }
      %dma_wait3A_124 = arith.constant 1 : i32
      %dma_wait3A_125 = arith.constant 0 : i32
      %dma_wait3A_126 = arith.constant 0 : i32
      %dma_wait3A_127 = tpu.memref_slice %arg6[%dma_wait3A_124, %dma_wait3A_125, %dma_wait3A_126] : memref<2x128x64xf32, #tpu.memory_space<vmem>> -> memref<1x128x64xf32, #tpu.memory_space<vmem>>
      %dma_wait3A_128 = tpu.memref_squeeze %dma_wait3A_127 : memref<1x128x64xf32, #tpu.memory_space<vmem>> -> memref<128x64xf32, #tpu.memory_space<vmem>>
      %dma_wait3A_129 = arith.constant 0 : i32
      %dma_wait3A_130 = arith.constant 0 : i32
      %dma_wait3A_131 = tpu.memref_slice %arg2[%dma_wait3A_129, %dma_wait3A_130] : memref<204800x64xf32, #tpu.memory_space<hbm>> -> memref<128x64xf32, #tpu.memory_space<hbm>>
      %dma_wait3A_132 = arith.constant 0 : i32
      %dma_wait3A_133 = arith.constant 0 : i32
      %dma_wait3A_134 = tpu.memref_slice %arg6[%dma_wait3A_124, %dma_wait3A_132, %dma_wait3A_133] : memref<2x128x64xf32, #tpu.memory_space<vmem>> -> memref<1x128x64xf32, #tpu.memory_space<vmem>>
      %dma_wait3A_135 = tpu.memref_squeeze %dma_wait3A_134 : memref<1x128x64xf32, #tpu.memory_space<vmem>> -> memref<128x64xf32, #tpu.memory_space<vmem>>
      %dma_wait3A_136 = arith.constant 0 : i32
      %dma_wait3A_137 = arith.constant 0 : i32
      %dma_wait3A_138 = tpu.memref_slice %arg2[%dma_wait3A_136, %dma_wait3A_137] : memref<204800x64xf32, #tpu.memory_space<hbm>> -> memref<128x64xf32, #tpu.memory_space<hbm>>
      tpu.wait_dma2 semaphore(%arg12 : memref<!tpu.dma_semaphore, #tpu.memory_space<semaphore_mem>>) src(%dma_wait3A_138 : memref<128x64xf32, #tpu.memory_space<hbm>>) dst(%dma_wait3A_135 : memref<128x64xf32, #tpu.memory_space<vmem>>)
      %mul3A_139 = arith.constant 128 : i32
      %mul3A_140 = arith.muli %add3A_116, %mul3A_139 : i32
      %rem3A_141 = arith.constant 200 : i32
      %rem3A_142 = arith.remsi %mul3A_140, %rem3A_141 : i32
      %parallel_loop3A_143 = arith.constant 0 : i32
      %parallel_loop3A_144 = arith.constant 128 : i32
      %parallel_loop3A_145 = arith.constant 1 : i32
      scf.for %parallel_loop3A_164 = %parallel_loop3A_143 to %parallel_loop3A_144 step %parallel_loop3A_145  : i32 {
        %parallel_loop3A_165 = arith.addi %rem3A_142, %parallel_loop3A_164 : i32
        %parallel_loop3A_166 = arith.constant 200 : i32
        %parallel_loop3A_167 = arith.remsi %parallel_loop3A_165, %parallel_loop3A_166 : i32
        %parallel_loop3A_168 = arith.constant 64 : i32
        %parallel_loop3A_169 = arith.muli %parallel_loop3A_167, %parallel_loop3A_168 : i32
        %parallel_loop3A_170 = tpu.assume_multiple %parallel_loop3A_169, 64 : i32
        %parallel_loop3A_171 = arith.constant 1 : i32
        %parallel_loop3A_172 = arith.index_cast %parallel_loop3A_171 : i32 to index
        %parallel_loop3A_173 = arith.index_cast %parallel_loop3A_164 : i32 to index
        %parallel_loop3A_174 = arith.constant 0 : index
        %parallel_loop3A_175 = tpu.vector_load %arg6[%parallel_loop3A_172, %parallel_loop3A_173, %parallel_loop3A_174] {strides = array<i32>} : memref<2x128x64xf32, #tpu.memory_space<vmem>>, vector<16xf32>,
        %parallel_loop3A_176 = arith.index_cast %parallel_loop3A_170 : i32 to index
        %parallel_loop3A_177 = tpu.vector_load %arg8[%parallel_loop3A_176] {strides = array<i32>} : memref<12800xf32, #tpu.memory_space<vmem>>, vector<16xf32>,
        %parallel_loop3A_178 = arith.addf %parallel_loop3A_175, %parallel_loop3A_177 : vector<16xf32>
        %parallel_loop3A_179 = arith.constant 1 : i32
        %parallel_loop3A_180 = arith.index_cast %parallel_loop3A_179 : i32 to index
        %parallel_loop3A_181 = arith.index_cast %parallel_loop3A_164 : i32 to index
        %parallel_loop3A_182 = arith.constant 16 : index
        %parallel_loop3A_183 = tpu.vector_load %arg6[%parallel_loop3A_180, %parallel_loop3A_181, %parallel_loop3A_182] {strides = array<i32>} : memref<2x128x64xf32, #tpu.memory_space<vmem>>, vector<16xf32>,
        %parallel_loop3A_184 = arith.constant 16 : i32
        %parallel_loop3A_185 = arith.addi %parallel_loop3A_170, %parallel_loop3A_184 : i32
        %parallel_loop3A_186 = arith.index_cast %parallel_loop3A_185 : i32 to index
        %parallel_loop3A_187 = tpu.vector_load %arg8[%parallel_loop3A_186] {strides = array<i32>} : memref<12800xf32, #tpu.memory_space<vmem>>, vector<16xf32>,
        %parallel_loop3A_188 = arith.addf %parallel_loop3A_183, %parallel_loop3A_187 : vector<16xf32>
        %parallel_loop3A_189 = arith.constant 1 : i32
        %parallel_loop3A_190 = arith.index_cast %parallel_loop3A_189 : i32 to index
        %parallel_loop3A_191 = arith.index_cast %parallel_loop3A_164 : i32 to index
        %parallel_loop3A_192 = arith.constant 32 : index
        %parallel_loop3A_193 = tpu.vector_load %arg6[%parallel_loop3A_190, %parallel_loop3A_191, %parallel_loop3A_192] {strides = array<i32>} : memref<2x128x64xf32, #tpu.memory_space<vmem>>, vector<16xf32>,
        %parallel_loop3A_194 = arith.constant 32 : i32
        %parallel_loop3A_195 = arith.addi %parallel_loop3A_170, %parallel_loop3A_194 : i32
        %parallel_loop3A_196 = arith.index_cast %parallel_loop3A_195 : i32 to index
        %parallel_loop3A_197 = tpu.vector_load %arg8[%parallel_loop3A_196] {strides = array<i32>} : memref<12800xf32, #tpu.memory_space<vmem>>, vector<16xf32>,
        %parallel_loop3A_198 = arith.addf %parallel_loop3A_193, %parallel_loop3A_197 : vector<16xf32>
        %parallel_loop3A_199 = arith.constant 1 : i32
        %parallel_loop3A_200 = arith.index_cast %parallel_loop3A_199 : i32 to index
        %parallel_loop3A_201 = arith.index_cast %parallel_loop3A_164 : i32 to index
        %parallel_loop3A_202 = arith.constant 48 : index
        %parallel_loop3A_203 = tpu.vector_load %arg6[%parallel_loop3A_200, %parallel_loop3A_201, %parallel_loop3A_202] {strides = array<i32>} : memref<2x128x64xf32, #tpu.memory_space<vmem>>, vector<16xf32>,
        %parallel_loop3A_204 = arith.constant 48 : i32
        %parallel_loop3A_205 = arith.addi %parallel_loop3A_170, %parallel_loop3A_204 : i32
        %parallel_loop3A_206 = arith.index_cast %parallel_loop3A_205 : i32 to index
        %parallel_loop3A_207 = tpu.vector_load %arg8[%parallel_loop3A_206] {strides = array<i32>} : memref<12800xf32, #tpu.memory_space<vmem>>, vector<16xf32>,
        %parallel_loop3A_208 = arith.addf %parallel_loop3A_203, %parallel_loop3A_207 : vector<16xf32>
        %parallel_loop3A_209 = arith.addf %parallel_loop3A_178, %parallel_loop3A_188 : vector<16xf32>
        %parallel_loop3A_210 = arith.addf %parallel_loop3A_198, %parallel_loop3A_208 : vector<16xf32>
        %parallel_loop3A_211 = arith.addf %parallel_loop3A_209, %parallel_loop3A_210 : vector<16xf32>
        %parallel_loop3A_212 = arith.mulf %parallel_loop3A_178, %parallel_loop3A_178 : vector<16xf32>
        %parallel_loop3A_213 = arith.mulf %parallel_loop3A_188, %parallel_loop3A_188 : vector<16xf32>
        %parallel_loop3A_214 = arith.addf %parallel_loop3A_212, %parallel_loop3A_213 : vector<16xf32>
        %parallel_loop3A_215 = arith.mulf %parallel_loop3A_198, %parallel_loop3A_198 : vector<16xf32>
        %parallel_loop3A_216 = arith.mulf %parallel_loop3A_208, %parallel_loop3A_208 : vector<16xf32>
        %parallel_loop3A_217 = arith.addf %parallel_loop3A_215, %parallel_loop3A_216 : vector<16xf32>
        %parallel_loop3A_218 = arith.addf %parallel_loop3A_214, %parallel_loop3A_217 : vector<16xf32>
        %parallel_loop3A_219 = arith.constant true
        %parallel_loop3A_220 = vector.broadcast %parallel_loop3A_219 : i1 to vector<16xi1>
        %parallel_loop3A_221 = tpu.scan <sum>, %parallel_loop3A_211 masked %parallel_loop3A_220 : vector<16xf32>, vector<16xi1> -> vector<16xf32>
        %parallel_loop3A_222 = vector.extract %parallel_loop3A_221[15] : f32 from vector<16xf32>
        %parallel_loop3A_223 = arith.constant 1.562500e-02 : f32
        %parallel_loop3A_224 = arith.mulf %parallel_loop3A_222, %parallel_loop3A_223 : f32
        %parallel_loop3A_225 = arith.constant true
        %parallel_loop3A_226 = vector.broadcast %parallel_loop3A_225 : i1 to vector<16xi1>
        %parallel_loop3A_227 = tpu.scan <sum>, %parallel_loop3A_218 masked %parallel_loop3A_226 : vector<16xf32>, vector<16xi1> -> vector<16xf32>
        %parallel_loop3A_228 = vector.extract %parallel_loop3A_227[15] : f32 from vector<16xf32>
        %parallel_loop3A_229 = arith.constant 1.562500e-02 : f32
        %parallel_loop3A_230 = arith.mulf %parallel_loop3A_228, %parallel_loop3A_229 : f32
        %parallel_loop3A_231 = arith.mulf %parallel_loop3A_224, %parallel_loop3A_224 : f32
        %parallel_loop3A_232 = arith.subf %parallel_loop3A_230, %parallel_loop3A_231 : f32
        %parallel_loop3A_233 = arith.constant 9.99999974E-6 : f32
        %parallel_loop3A_234 = arith.addf %parallel_loop3A_232, %parallel_loop3A_233 : f32
        %parallel_loop3A_235 = arith.bitcast %parallel_loop3A_234 : f32 to i32
        %parallel_loop3A_236 = arith.constant 1 : i32
        %parallel_loop3A_237 = arith.shrsi %parallel_loop3A_235, %parallel_loop3A_236 : i32
        %parallel_loop3A_238 = arith.constant 1597463007 : i32
        %parallel_loop3A_239 = arith.subi %parallel_loop3A_238, %parallel_loop3A_237 : i32
        %parallel_loop3A_240 = arith.bitcast %parallel_loop3A_239 : i32 to f32
        %parallel_loop3A_241 = arith.constant 5.000000e-01 : f32
        %parallel_loop3A_242 = arith.mulf %parallel_loop3A_241, %parallel_loop3A_234 : f32
        %parallel_loop3A_243 = arith.mulf %parallel_loop3A_242, %parallel_loop3A_240 : f32
        %parallel_loop3A_244 = arith.mulf %parallel_loop3A_243, %parallel_loop3A_240 : f32
        %parallel_loop3A_245 = arith.constant 1.500000e+00 : f32
        %parallel_loop3A_246 = arith.subf %parallel_loop3A_245, %parallel_loop3A_244 : f32
        %parallel_loop3A_247 = arith.mulf %parallel_loop3A_240, %parallel_loop3A_246 : f32
        %parallel_loop3A_248 = arith.constant 5.000000e-01 : f32
        %parallel_loop3A_249 = arith.mulf %parallel_loop3A_248, %parallel_loop3A_234 : f32
        %parallel_loop3A_250 = arith.mulf %parallel_loop3A_249, %parallel_loop3A_247 : f32
        %parallel_loop3A_251 = arith.mulf %parallel_loop3A_250, %parallel_loop3A_247 : f32
        %parallel_loop3A_252 = arith.constant 1.500000e+00 : f32
        %parallel_loop3A_253 = arith.subf %parallel_loop3A_252, %parallel_loop3A_251 : f32
        %parallel_loop3A_254 = arith.mulf %parallel_loop3A_247, %parallel_loop3A_253 : f32
        %parallel_loop3A_255 = vector.broadcast %parallel_loop3A_224 : f32 to vector<16xf32>
        %parallel_loop3A_256 = arith.subf %parallel_loop3A_178, %parallel_loop3A_255 : vector<16xf32>
        %parallel_loop3A_257 = vector.broadcast %parallel_loop3A_254 : f32 to vector<16xf32>
        %parallel_loop3A_258 = arith.mulf %parallel_loop3A_257, %get3A_3 : vector<16xf32>
        %parallel_loop3A_259 = arith.mulf %parallel_loop3A_256, %parallel_loop3A_258 : vector<16xf32>
        %parallel_loop3A_260 = arith.addf %parallel_loop3A_259, %get3A_11 : vector<16xf32>
        %parallel_loop3A_261 = arith.constant 1 : i32
        %parallel_loop3A_262 = arith.index_cast %parallel_loop3A_261 : i32 to index
        %parallel_loop3A_263 = arith.index_cast %parallel_loop3A_164 : i32 to index
        %parallel_loop3A_264 = arith.constant 0 : index
        %parallel_loop3A_265 = tpu.vector_load %arg7[%parallel_loop3A_262, %parallel_loop3A_263, %parallel_loop3A_264] {strides = array<i32>} : memref<2x128x64xf32, #tpu.memory_space<vmem>>, vector<16xf32>,
        tpu.vector_store %arg7[%parallel_loop3A_262, %parallel_loop3A_263, %parallel_loop3A_264], %parallel_loop3A_260 {strides = array<i32>} : memref<2x128x64xf32, #tpu.memory_space<vmem>>, vector<16xf32>,
        %parallel_loop3A_266 = vector.broadcast %parallel_loop3A_224 : f32 to vector<16xf32>
        %parallel_loop3A_267 = arith.subf %parallel_loop3A_188, %parallel_loop3A_266 : vector<16xf32>
        %parallel_loop3A_268 = vector.broadcast %parallel_loop3A_254 : f32 to vector<16xf32>
        %parallel_loop3A_269 = arith.mulf %parallel_loop3A_268, %get3A_5 : vector<16xf32>
        %parallel_loop3A_270 = arith.mulf %parallel_loop3A_267, %parallel_loop3A_269 : vector<16xf32>
        %parallel_loop3A_271 = arith.addf %parallel_loop3A_270, %get3A_13 : vector<16xf32>
        %parallel_loop3A_272 = arith.constant 1 : i32
        %parallel_loop3A_273 = arith.index_cast %parallel_loop3A_272 : i32 to index
        %parallel_loop3A_274 = arith.index_cast %parallel_loop3A_164 : i32 to index
        %parallel_loop3A_275 = arith.constant 16 : index
        %parallel_loop3A_276 = tpu.vector_load %arg7[%parallel_loop3A_273, %parallel_loop3A_274, %parallel_loop3A_275] {strides = array<i32>} : memref<2x128x64xf32, #tpu.memory_space<vmem>>, vector<16xf32>,
        tpu.vector_store %arg7[%parallel_loop3A_273, %parallel_loop3A_274, %parallel_loop3A_275], %parallel_loop3A_271 {strides = array<i32>} : memref<2x128x64xf32, #tpu.memory_space<vmem>>, vector<16xf32>,
        %parallel_loop3A_277 = vector.broadcast %parallel_loop3A_224 : f32 to vector<16xf32>
        %parallel_loop3A_278 = arith.subf %parallel_loop3A_198, %parallel_loop3A_277 : vector<16xf32>
        %parallel_loop3A_279 = vector.broadcast %parallel_loop3A_254 : f32 to vector<16xf32>
        %parallel_loop3A_280 = arith.mulf %parallel_loop3A_279, %get3A_7 : vector<16xf32>
        %parallel_loop3A_281 = arith.mulf %parallel_loop3A_278, %parallel_loop3A_280 : vector<16xf32>
        %parallel_loop3A_282 = arith.addf %parallel_loop3A_281, %get3A_15 : vector<16xf32>
        %parallel_loop3A_283 = arith.constant 1 : i32
        %parallel_loop3A_284 = arith.index_cast %parallel_loop3A_283 : i32 to index
        %parallel_loop3A_285 = arith.index_cast %parallel_loop3A_164 : i32 to index
        %parallel_loop3A_286 = arith.constant 32 : index
        %parallel_loop3A_287 = tpu.vector_load %arg7[%parallel_loop3A_284, %parallel_loop3A_285, %parallel_loop3A_286] {strides = array<i32>} : memref<2x128x64xf32, #tpu.memory_space<vmem>>, vector<16xf32>,
        tpu.vector_store %arg7[%parallel_loop3A_284, %parallel_loop3A_285, %parallel_loop3A_286], %parallel_loop3A_282 {strides = array<i32>} : memref<2x128x64xf32, #tpu.memory_space<vmem>>, vector<16xf32>,
        %parallel_loop3A_288 = vector.broadcast %parallel_loop3A_224 : f32 to vector<16xf32>
        %parallel_loop3A_289 = arith.subf %parallel_loop3A_208, %parallel_loop3A_288 : vector<16xf32>
        %parallel_loop3A_290 = vector.broadcast %parallel_loop3A_254 : f32 to vector<16xf32>
        %parallel_loop3A_291 = arith.mulf %parallel_loop3A_290, %get3A_9 : vector<16xf32>
        %parallel_loop3A_292 = arith.mulf %parallel_loop3A_289, %parallel_loop3A_291 : vector<16xf32>
        %parallel_loop3A_293 = arith.addf %parallel_loop3A_292, %get3A_17 : vector<16xf32>
        %parallel_loop3A_294 = arith.constant 1 : i32
        %parallel_loop3A_295 = arith.index_cast %parallel_loop3A_294 : i32 to index
        %parallel_loop3A_296 = arith.index_cast %parallel_loop3A_164 : i32 to index
        %parallel_loop3A_297 = arith.constant 48 : index
        %parallel_loop3A_298 = tpu.vector_load %arg7[%parallel_loop3A_295, %parallel_loop3A_296, %parallel_loop3A_297] {strides = array<i32>} : memref<2x128x64xf32, #tpu.memory_space<vmem>>, vector<16xf32>,
        tpu.vector_store %arg7[%parallel_loop3A_295, %parallel_loop3A_296, %parallel_loop3A_297], %parallel_loop3A_293 {strides = array<i32>} : memref<2x128x64xf32, #tpu.memory_space<vmem>>, vector<16xf32>,
      } {sc.loop_unroll_factor = 16 : i64, sc.parallel_access}
      %mul3A_146 = arith.constant 128 : i32
      %mul3A_147 = arith.muli %add3A_116, %mul3A_146 : i32
      %add3A_148 = arith.addi %multiple_of3A, %mul3A_147 : i32
      %multiple_of3A_149 = tpu.assume_multiple %add3A_148, 128 : i32
      %dma_start3A_150 = arith.constant 1 : i32
      %dma_start3A_151 = arith.constant 0 : i32
      %dma_start3A_152 = arith.constant 0 : i32
      %dma_start3A_153 = tpu.memref_slice %arg7[%dma_start3A_150, %dma_start3A_151, %dma_start3A_152] : memref<2x128x64xf32, #tpu.memory_space<vmem>> -> memref<1x128x64xf32, #tpu.memory_space<vmem>>
      %dma_start3A_154 = tpu.memref_squeeze %dma_start3A_153 : memref<1x128x64xf32, #tpu.memory_space<vmem>> -> memref<128x64xf32, #tpu.memory_space<vmem>>
      %dma_start3A_155 = arith.constant 0 : i32
      %dma_start3A_156 = tpu.memref_slice %arg5[%multiple_of3A_149, %dma_start3A_155] : memref<204800x64xf32, #tpu.memory_space<hbm>> -> memref<128x64xf32, #tpu.memory_space<hbm>>
      %dma_start3A_157 = arith.constant 0 : i32
      %dma_start3A_158 = tpu.memref_slice %arg5[%multiple_of3A_149, %dma_start3A_157] : memref<204800x64xf32, #tpu.memory_space<hbm>> -> memref<128x64xf32, #tpu.memory_space<hbm>>
      %dma_start3A_159 = arith.constant 0 : i32
      %dma_start3A_160 = arith.constant 0 : i32
      %dma_start3A_161 = tpu.memref_slice %arg7[%dma_start3A_150, %dma_start3A_159, %dma_start3A_160] : memref<2x128x64xf32, #tpu.memory_space<vmem>> -> memref<1x128x64xf32, #tpu.memory_space<vmem>>
      %dma_start3A_162 = tpu.memref_squeeze %dma_start3A_161 : memref<1x128x64xf32, #tpu.memory_space<vmem>> -> memref<128x64xf32, #tpu.memory_space<vmem>>
      tpu.enqueue_dma source(%dma_start3A_162 : memref<128x64xf32, #tpu.memory_space<vmem>>) target(%dma_start3A_158 : memref<128x64xf32, #tpu.memory_space<hbm>>) target_semaphore(%arg14 : memref<!tpu.dma_semaphore, #tpu.memory_space<semaphore_mem>>)
      %scan3A_163 = arith.constant 0 : i32
      scf.yield %scan3A_163 : i32
    }
    %scan3A_38 = arith.constant 25 : i32
    %dma_wait3A = arith.constant 0 : i32
    %dma_wait3A_39 = arith.constant 0 : i32
    %dma_wait3A_40 = arith.constant 0 : i32
    %dma_wait3A_41 = tpu.memref_slice %arg7[%dma_wait3A, %dma_wait3A_39, %dma_wait3A_40] : memref<2x128x64xf32, #tpu.memory_space<vmem>> -> memref<1x128x64xf32, #tpu.memory_space<vmem>>
    %dma_wait3A_42 = tpu.memref_squeeze %dma_wait3A_41 : memref<1x128x64xf32, #tpu.memory_space<vmem>> -> memref<128x64xf32, #tpu.memory_space<vmem>>
    %dma_wait3A_43 = arith.constant 0 : i32
    %dma_wait3A_44 = arith.constant 0 : i32
    %dma_wait3A_45 = tpu.memref_slice %arg5[%dma_wait3A_43, %dma_wait3A_44] : memref<204800x64xf32, #tpu.memory_space<hbm>> -> memref<128x64xf32, #tpu.memory_space<hbm>>
    %dma_wait3A_46 = arith.constant 0 : i32
    %dma_wait3A_47 = arith.constant 0 : i32
    %dma_wait3A_48 = tpu.memref_slice %arg5[%dma_wait3A_46, %dma_wait3A_47] : memref<204800x64xf32, #tpu.memory_space<hbm>> -> memref<128x64xf32, #tpu.memory_space<hbm>>
    %dma_wait3A_49 = arith.constant 0 : i32
    %dma_wait3A_50 = arith.constant 0 : i32
    %dma_wait3A_51 = tpu.memref_slice %arg7[%dma_wait3A, %dma_wait3A_49, %dma_wait3A_50] : memref<2x128x64xf32, #tpu.memory_space<vmem>> -> memref<1x128x64xf32, #tpu.memory_space<vmem>>
    %dma_wait3A_52 = tpu.memref_squeeze %dma_wait3A_51 : memref<1x128x64xf32, #tpu.memory_space<vmem>> -> memref<128x64xf32, #tpu.memory_space<vmem>>
    tpu.wait_dma2 semaphore(%arg13 : memref<!tpu.dma_semaphore, #tpu.memory_space<semaphore_mem>>) src(%dma_wait3A_52 : memref<128x64xf32, #tpu.memory_space<vmem>>) dst(%dma_wait3A_48 : memref<128x64xf32, #tpu.memory_space<hbm>>)
    %dma_wait3A_53 = arith.constant 1 : i32
    %dma_wait3A_54 = arith.constant 0 : i32
    %dma_wait3A_55 = arith.constant 0 : i32
    %dma_wait3A_56 = tpu.memref_slice %arg7[%dma_wait3A_53, %dma_wait3A_54, %dma_wait3A_55] : memref<2x128x64xf32, #tpu.memory_space<vmem>> -> memref<1x128x64xf32, #tpu.memory_space<vmem>>
    %dma_wait3A_57 = tpu.memref_squeeze %dma_wait3A_56 : memref<1x128x64xf32, #tpu.memory_space<vmem>> -> memref<128x64xf32, #tpu.memory_space<vmem>>
    %dma_wait3A_58 = arith.constant 0 : i32
    %dma_wait3A_59 = arith.constant 0 : i32
    %dma_wait3A_60 = tpu.memref_slice %arg5[%dma_wait3A_58, %dma_wait3A_59] : memref<204800x64xf32, #tpu.memory_space<hbm>> -> memref<128x64xf32, #tpu.memory_space<hbm>>
    %dma_wait3A_61 = arith.constant 0 : i32
    %dma_wait3A_62 = arith.constant 0 : i32
    %dma_wait3A_63 = tpu.memref_slice %arg5[%dma_wait3A_61, %dma_wait3A_62] : memref<204800x64xf32, #tpu.memory_space<hbm>> -> memref<128x64xf32, #tpu.memory_space<hbm>>
    %dma_wait3A_64 = arith.constant 0 : i32
    %dma_wait3A_65 = arith.constant 0 : i32
    %dma_wait3A_66 = tpu.memref_slice %arg7[%dma_wait3A_53, %dma_wait3A_64, %dma_wait3A_65] : memref<2x128x64xf32, #tpu.memory_space<vmem>> -> memref<1x128x64xf32, #tpu.memory_space<vmem>>
    %dma_wait3A_67 = tpu.memref_squeeze %dma_wait3A_66 : memref<1x128x64xf32, #tpu.memory_space<vmem>> -> memref<128x64xf32, #tpu.memory_space<vmem>>
    tpu.wait_dma2 semaphore(%arg14 : memref<!tpu.dma_semaphore, #tpu.memory_space<semaphore_mem>>) src(%dma_wait3A_67 : memref<128x64xf32, #tpu.memory_space<vmem>>) dst(%dma_wait3A_63 : memref<128x64xf32, #tpu.memory_space<hbm>>)
    return
  }
}

</mosaic_0001>

<sc_bundles>
// kernel: _run.3.cloned.1.call-start
scs
__scs_entry_jumppad:
0x0: {  	(pc) =	sbr.rel $0x88, $3  }
0x1: {  	(tag) =	ssettag $0x0;
	lr =	simm.s32 $0x1  }
0x2: {  	[smem:$0x3F9E] =	sst lr;
	_ =	strace $0xD0000000  }
0x3: {  	_ = 	snop  }
0x4: {  	_ = 	snop  }
0x5: {  	_ = 	snop  }
0x6: {  	_ = 	snop  }
0x7: {  	_ = 	snop  }
__scs_overlays_trampoline_lowered:
0x8: {  	[smem:$0x3FAD] =	sst s0  }
0x9: {  	[smem:$0x3FAE] =	sst s1  }
0xa: {  	[smem:$0x3FAF] =	sst s2  }
0xb: {  	[smem:$0x3FB0] =	sst s3  }
0xc: {  	[smem:$0x3FB1] =	sst s4  }
0xd: {  	[smem:$0x3FB2] =	sst s5  }
0xe: {  	[smem:$0x3FB3] =	sst s6  }
0xf: {  	[smem:$0x3FB4] =	sst s7  }
0x10: {  	[smem:$0x3FB5] =	sst s8  }
0x11: {  	[smem:$0x3FB6] =	sst s9;
	s0 =	simm.s32 @!p0 $0x0  }
0x12: {  	s1 =	sld [smem:$0x3F9C];
	s0 =	simm.s32 @p0 $0x1  }
0x13: {  	[smem:$0x3FB7] =	sst s0;
	s0 =	simm.s32 @!p1 $0x0  }
0x14: {  	s2 =	sld [smem:$0x3F9B];
	s0 =	simm.s32 @p1 $0x1  }
0x15: {  	[smem:$0x3FB8] =	sst s0;
	s0 =	simm.s32 @!p2 $0x0  }
0x16: {  	s3 =	sld [smem:$0x3FDB];
	s0 =	simm.s32 @p2 $0x1  }
0x17: {  	s4 =	simm.s32 $0x1BF5;
	[smem:$0x3FBA] =	sst s0  }
0x18: {  	s0 =	sld [smem:$0x3F9D];
	_ =	swait.ge [sflag:s4], $0x0  }
0x19: {  	s7 =	sld [smem:$0x3F9E]  }
0x1a: {  	s8 =	sadd.s32 $0xFFFFE003, lr  }
0x1b: {  	s9 =	sadd.s32 $0xFFFFFEF7, lr;
	s5 =	simm.s32 $0xFFFFFFFF;
	p2 =	slt.u32 s8, $0xFFFFF086  }
0x1c: {  	p1 =	slt.u32 s9, $0xF7A;
	s5 =	simm.s32 @!p2 $0x0  }
0x1d: {  	s5 =	simm.s32 @p1 $0x1;
	p0 =	seq.s32 s7, s2  }
0x1e: {  	s7 =	smul.u32 @!p0 $0xF7A, s2;
	p2 =	seq.s32 @!p0 s5, $0x0  }
0x1f: {  	s9 =	smul.u32 $0xF7A, s1;
	s8 =	simm.s32 @!p0 $0x1BF5;
	p2 =	por !p2, p0  }
0x20: {  	[sflag:s8] =	ssyncset.s32 @!p0 $0xFFFFF086;
	s6 =	sadd.s32 @!p0 s3, s7;
	s7 =	simm.s32 @!p0 $0x108  }
0x21: {  	s3 =	sadd.s32 s3, s9;
	s6 =	sadd.s32 @!p0 $0x88, s6;
	s7 =	simm.s32 @p2 $0x1082  }
0x22: {  	[simem:s7], [sflag:s8] =	dma.local @!p0 [hbm:s6], $0xF7A  }
0x23: {  	s9 =	sor.u32 $0xD0000000, s2;
	s6 =	simm.s32 $0x108;
	_ =	swait.ge @!p0 [sflag:s8], $0x0  }
0x24: {  	s3 =	sadd.s32 $0x88, s3;
	s6 =	simm.s32 @!p1 $0x1082;
	[sflag:s4] =	ssyncset.s32 $0xFFFFF086  }
0x25: {  	[simem:s6], [sflag:s4] =	dma.local [hbm:s3], $0xF7A  }
0x26: {  	[smem:$0x3F9E] =	sst s1;
	(tag) =	ssettag s2;
	_ =	strace s9  }
0x27: {  	s1 =	sld [smem:$0x3FAE]  }
0x28: {  	s2 =	sld [smem:$0x3FAF]  }
0x29: {  	s4 =	sld [smem:$0x3FB1]  }
0x2a: {  	p0 =	seq.s32 s5, $0x0;
	s5 =	sld [smem:$0x3FB2]  }
0x2b: {  	s6 =	sld [smem:$0x3FB3]  }
0x2c: {  	s7 =	sld [smem:$0x3FB4]  }
0x2d: {  	s3 =	simm.s32 $0x108;
	s8 =	sld [smem:$0x3FB5]  }
0x2e: {  	s3 =	simm.s32 @!p0 $0x1082;
	s9 =	sld [smem:$0x3FB6]  }
0x2f: {  	lr =	sadd.s32 s0, s3;
	s0 =	sld [smem:$0x3FAD]  }
0x30: {  	s3 =	sld [smem:$0x3FB0]  }
0x31: {  	[smem:$0x3FB9] =	sst s10  }
0x32: {  	s10 =	sld [smem:$0x3FB7];
	_ =	sdelay $0x3  }
0x33: {  	p0 =	seq.s32 s10, $0x1;
	s10 =	sld [smem:$0x3FB9];
	_ =	sdelay $0x3  }
0x34: {  	[smem:$0x3FB9] =	sst s10  }
0x35: {  	s10 =	sld [smem:$0x3FB8];
	_ =	sdelay $0x3  }
0x36: {  	p1 =	seq.s32 s10, $0x1;
	s10 =	sld [smem:$0x3FB9];
	_ =	sdelay $0x3  }
0x37: {  	[smem:$0x3FB9] =	sst s10  }
0x38: {  	s10 =	sld [smem:$0x3FBA]  }
0x39: {  	_ = 	snop;
	(pc) =	sbr.ind lr, $3  }
0x3a: {  	_ = 	snop  }
0x3b: {  	_ = 	snop  }
0x3c: {  	p2 =	seq.s32 s10, $0x1;
	s10 =	sld [smem:$0x3FB9]  }
0x3d: {  	_ =	shalt  }
0x3e: {  	_ =	shalt  }
0x3f: {  	_ =	shalt  }
0x40: {  	_ =	shalt  }
0x41: {  	_ =	shalt  }
0x42: {  	_ =	shalt  }
0x43: {  	_ =	shalt  }
0x44: {  	_ =	shalt  }
0x45: {  	_ =	shalt  }
0x46: {  	_ =	shalt  }
0x47: {  	_ =	shalt  }
0x48: {  	_ =	shalt  }
0x49: {  	_ =	shalt  }
0x4a: {  	_ =	shalt  }
0x4b: {  	_ =	shalt  }
0x4c: {  	_ =	shalt  }
0x4d: {  	_ =	shalt  }
0x4e: {  	_ =	shalt  }
0x4f: {  	_ =	shalt  }
0x50: {  	_ =	shalt  }
0x51: {  	_ =	shalt  }
0x52: {  	_ =	shalt  }
0x53: {  	_ =	shalt  }
0x54: {  	_ =	shalt  }
0x55: {  	_ =	shalt  }
0x56: {  	_ =	shalt  }
0x57: {  	_ =	shalt  }
0x58: {  	_ =	shalt  }
0x59: {  	_ =	shalt  }
0x5a: {  	_ =	shalt  }
0x5b: {  	_ =	shalt  }
0x5c: {  	_ =	shalt  }
0x5d: {  	_ =	shalt  }
0x5e: {  	_ =	shalt  }
0x5f: {  	_ =	shalt  }
0x60: {  	_ =	shalt  }
0x61: {  	_ =	shalt  }
0x62: {  	_ =	shalt  }
0x63: {  	_ =	shalt  }
0x64: {  	_ =	shalt  }
0x65: {  	_ =	shalt  }
0x66: {  	_ =	shalt  }
0x67: {  	_ =	shalt  }
0x68: {  	_ =	shalt  }
0x69: {  	_ =	shalt  }
0x6a: {  	_ =	shalt  }
0x6b: {  	_ =	shalt  }
0x6c: {  	_ =	shalt  }
0x6d: {  	_ =	shalt  }
0x6e: {  	_ =	shalt  }
0x6f: {  	_ =	shalt  }
0x70: {  	_ =	shalt  }
0x71: {  	_ =	shalt  }
0x72: {  	_ =	shalt  }
0x73: {  	_ =	shalt  }
0x74: {  	_ =	shalt  }
0x75: {  	_ =	shalt  }
0x76: {  	_ =	shalt  }
0x77: {  	_ =	shalt  }
0x78: {  	_ =	shalt  }
0x79: {  	_ =	shalt  }
0x7a: {  	_ =	shalt  }
0x7b: {  	_ =	shalt  }
0x7c: {  	_ =	shalt  }
0x7d: {  	_ =	shalt  }
0x7e: {  	_ =	shalt  }
0x7f: {  	_ =	shalt  }
0x80: {  	_ =	shalt  }
0x81: {  	_ =	shalt  }
0x82: {  	_ =	shalt  }
0x83: {  	_ =	shalt  }
0x84: {  	_ =	shalt  }
0x85: {  	_ =	shalt  }
0x86: {  	_ =	shalt  }
0x87: {  	_ =	shalt  }
.Lfunc_end0:
.L_simem_size_0:
called_computation_lowered:
.L_overlay_start_0:
0x88: {  	s2 =	sld [smem:$0x3FD9]  }
0x89: {  	s3 =	sld [smem:$0x3FFE];
	_ =	sdelay $0x1  }
0x8a: {  	s1 =	srdreg.scid  }
0x8b: {  	s0 =	sand.u32 $0x1, s1  }
0x8c: {  	s17 =	sshll.u32 s0, $0xA;
	s2 =	sadd.s32 s3, s2  }
0x8d: {  	s2 =	sadd.s32 s2, s17  }
0x8e: {  	[smem:$0x3FC5] =	sst s2  }
0x8f: {  	_ = 	snop  }
0x90: {  	s2 =	sld [smem:$0x3FC8]  }
0x91: {  	s18 =	sld [smem:$0x3FC7];
	(tm) =	ssettm $0x1  }
0x92: {  	s4 =	sld [smem:$0x3FFB];
	_ =	sdelay $0x3  }
0x93: {  	_ =	strace s4  }
0x94: {  	s4 =	sld [smem:$0x3FFC];
	_ =	sdelay $0x3  }
0x95: {  	_ =	strace s4  }
0x96: {  	s4 =	sld [smem:$0x3FFD];
	_ =	sdelay $0x3  }
0x97: {  	_ =	strace s4  }
0x98: {  	_ =	strace $0x8FFFFFFF  }
0x99: {  	s19 =	sld [smem:$0x3FDB];
	_ =	sdelay $0x1  }
0x9a: {  	s5 =	simm.s32 $_scs_section_size  }
0x9b: {  	s6 =	simm.s32 $_size__tile_overlayer_lowered;
	s7 =	simm.s32 $_tile_overlayer_lowered  }
0x9c: {  	s22 =	simm.s32 $0x1BFF;
	s21 =	sshll.u32 s7, $0x1;
	s4 =	sadd.s32 s5, s19  }
0x9d: {  	s8 =	simm.s32 $0x0;
	s20 =	sshll.u32 s6, $0x1;
	s6 =	sadd.s32 s21, s4  }
0x9e: {  	[timem:s8], [sflag:s22] =	dma.local [hbm:s6], s20  }
0x9f: {  	_ =	swait.ge [sflag:s22], s20  }
0xa0: {  	s5 =	ssub.s32 $0x0, s20;
	[sflag:s22] =	ssyncset.done $0x0  }
0xa1: {  	[sflag:s22] =	ssyncadd.s32 s5;
	_ =	sdelay $0x1  }
0xa2: {  	s23 =	simm.s32 $0x1B8B  }
0xa3: {  	_ =	swait.ge [sflag:s23], $0x1  }
0xa4: {  	[sflag:s23] =	ssyncset.done $0x0  }
0xa5: {  	s25 =	simm.s32 $0x1B8E;
	s24 =	sld [smem:$0x3FFE];
	[sflag:s23] =	ssyncadd.s32 $0xFFFFFFFF  }
0xa6: {  	s26 =	simm.s32 $execute0_lowered;
	[smem:$0x3FD2] =	sst s25  }
0xa7: {  	s6 =	sshll.u32 s26, $0x1;
	_ =	strace $0x80000046;
	[dreg:$0x1] =	wrdreg $0xFFFFFFFF  }
0xa8: {  	s28 =	simm.s32 $_size_execute0_lowered;
	s4 =	sadd.s32 s4, s6;
	[dreg:$0x0] =	wrdreg $0x0  }
0xa9: {  	s6 =	sshll.u32 s28, $0x1;
	[dreg:$0x2] =	wrdreg s4  }
0xaa: {  	[dreg:$0x3] =	wrdreg s6  }
0xab: {  	[dreg:$0x4] =	wrdreg $0xC0  }
0xac: {  	_ =	task [dreg:s8], $0x5FFFF  }
0xad: {  	[dreg:$0x1] =	wrdreg $0xFFFFFFFF  }
0xae: {  	[dreg:$0x0] =	wrdreg $0x60  }
0xaf: {  	[dreg:$0x2] =	wrdreg s24  }
0xb0: {  	[dreg:$0x3] =	wrdreg s2  }
0xb1: {  	[dreg:$0x4] =	wrdreg s18  }
0xb2: {  	[dreg:$0x5] =	wrdreg $0x9  }
0xb3: {  	_ =	task.clear_ibuf [dreg:s8], $0x6FFFF;
	_ =	strace $0x90000046  }
0xb4: {  	s29 =	simm.s32 $0x9;
	_ =	strace $0x80000048  }
0xb5: {  	_ =	swait.ge [sflag:s29], $0x1  }
0xb6: {  	[sflag:s29] =	ssyncadd.s32 $0xFFFFFFFF  }
0xb7: {  	_ =	strace $0x90000048  }
0xb8: {  	_ =	sfence  }
0xb9: {  	s30 =	sld [smem:$0x0];
	_ =	sdelay $0x2  }
0xba: {  	s31 =	sshll.u32 s1, $0xD;
	s1 =	sshrl.u32 s1, $0x2  }
0xbb: {  	s3 =	sand.u32 $0x4000, s31;
	s1 =	sadd.s32 s1, s30  }
0xbc: {  	s0 =	sor.u32 s3, s0;
	s1 =	sshll.u32 s1, $0x11  }
0xbd: {  	s0 =	sor.u32 s1, s0  }
0xbe: {  	s0 =	sadd.s32 $0x8F2B, s0  }
0xbf: {  	[sflag:s0] =	ssyncadd.remote.s32 $0x1  }
0xc0: {  	_ =	sfence.sel $0xFFFF  }
0xc1: {  	[dreg:$0x0] =	wrdreg $0xFFFFFFFF;
	(pc) =	sbr.abs _section_cstart, $3  }
0xc2: {  	[dreg:$0x1] =	wrdreg $0xFFFFFFFF  }
0xc3: {  	_ =	task.clear_ibuf [dreg:s8], $0x2FFFF;
	_ =	strace $0x9FFFFFFF  }
0xc4: {  	(tm) =	ssettm $0x7FFFFFFF  }
0xc5: {  	_ =	shalt  }
tec
execute0_lowered:
.L_overlay_start_1:
0x0: {  	(tag) =	ssettag $0x1  }
0x1: {  	s1 =	srdreg.scid;
	s2 =	stileid.u32  }
0x2: {  	s1 =	sand.u32 $0x1, s1;
	s2 =	sshll.u32 s2, $0x1  }
0x3: {  	s0 =	rddreg [dreg:$0x0];
	s4 =	simm.s32 $0x0;
	s2 =	sor.u32 s1, s2  }
0x4: {  	[smem:$0x7FF] =	sst s4;
	s3 =	smul.u32 $0x19000, s2  }
0x5: {  	s7 =	sadd.s32 $0x400, s0;
	s0 =	sadd.s32 $0x320400, s0;
	s29 =	smul.u32 $0x1900, s2  }
0x6: {  	_ =	strace $0x80000047;
	[dreg:$0x7] =	wrdreg s0;
	s6 =	smul.u32 $0xC8000, s2  }
0x7: {  	s1 =	ssub.s32 $0x2, s1;
	[dreg:$0x8] =	wrdreg s29  }
0x8: {  	s5 =	sshrl.u32 s1, $0x1;
	s30 =	sadd.s32 s7, s3;
	[dreg:$0x6] =	wrdreg s6  }
0x9: {  	s28 =	ssub.s32 s1, s5;
	s31 =	sadd.s32 $0x8000, s6;
	[dreg:$0x9] =	wrdreg s30  }
0xa: {  	s8 =	smov.u32 s7;
	s0 =	smax.u32 s28, $0x1;
	[dreg:$0xa] =	wrdreg s31  }
0xb: {  	s2 =	simm.s32 $0x0;
	s6 =	simm.s32 $0x0;
	[dreg:$0xb] =	wrdreg s0  }
.LBB2_1:
0xc: {  	[dreg:$0xc] =	wrdreg s2  }
0xd: {  	s0 =	rddreg [dreg:$0x1];
	s1 =	simm.s32 $0x10000  }
0xe: {  	[tilespmem:s1], [sflag:$0x1] =	stream.linear.gather [hbm4b:s0+s4], $0x3200, $0x38;
	[tilespmem:$0x13280] =	vst v63  }
0xf: {  	s28 =	rddreg [dreg:$0x2];
	s29 =	simm.s32 $0x13200;
	s30 =	simm.s32 $0x1  }
0x10: {  	[tilespmem:s29], [sflag:$0x1] =	stream.linear.gather [hbm4b:s28+s4], $0x80, $0x38;
	[tilespmem:$0x13280] =	vst v63  }
0x11: {  	_ =	swait.ge [sflag:s30], $0x80  }
0x12: {  	[sflag:s30] =	ssyncset.done $0x0  }
0x13: {  	[sflag:s30] =	ssyncadd.s32 $0xFFFFFF80  }
0x14: {  	_ =	swait.ge [sflag:s30], $0x3200  }
0x15: {  	[sflag:s30] =	ssyncset.done $0x0  }
0x16: {  	[sflag:s30] =	ssyncadd.s32 $0xFFFFCE00  }
0x17: {  	v4 =	vld [tilespmem:$0x13200]  }
0x18: {  	v5 =	vld [tilespmem:$0x13210]  }
0x19: {  	v6 =	vld [tilespmem:$0x13220]  }
0x1a: {  	v12 =	vld [tilespmem:$0x13240]  }
0x1b: {  	v8 =	vld [tilespmem:$0x13250]  }
0x1c: {  	v3 =	vld [tilespmem:$0x13260]  }
0x1d: {  	s31 =	rddreg [dreg:$0x9];
	v7 =	vld [tilespmem:$0x13230]  }
0x1e: {  	v2 =	vld [tilespmem:$0x13270];
	[tilespmem:s4], [sflag:$0x2] =	stream.linear.gather [hbm4b:s31+s4], $0x4000, $0x38  }
0x1f: {  	[tilespmem:$0x1FFD0] =	vst v12  }
0x20: {  	[tilespmem:$0x1FFE0] =	vst v8  }
0x21: {  	s23 =	simm.s32 $0x80;
	s24 =	simm.s32 $0x0;
	s25 =	simm.s32 $0x0;
	[tilespmem:$0x1FFF0] =	vst v3  }
.LBB2_2:
0x22: {  	s0 =	smulhi.u32 $0x51EB851F, s23  }
0x23: {  	s1 =	smulhi.u32 $0x51EB851F, s24  }
0x24: {  	s0 =	sshrl.u32 s0, $0x6  }
0x25: {  	s1 =	sshrl.u32 s1, $0x6;
	s0 =	smul.u32 $0xC8, s0  }
0x26: {  	s1 =	smul.u32 $0xC8, s1  }
0x27: {  	s0 =	ssub.s32 s24, s0  }
0x28: {  	p0 =	seq.s32 s25, $0x0;
	s18 =	ssub.s32 s24, s1;
	[dreg:$0x5] =	wrdreg s0  }
0x29: {  	[dreg:$0x4] =	wrdreg s18;
	s0 =	simm.s32 @!p0 $0x5  }
0x2a: {  	s26 =	sshllo.u32 s25, $0x1;
	_ =	swait.ge @!p0 [sflag:s0], $0x4000  }
0x2b: {  	s19 =	sshll.u32 s26, $0xE;
	s2 =	rddreg [dreg:$0x6]  }
0x2c: {  	s1 =	sadd.s32 s2, s19  }
0x2d: {  	s21 =	simm.s32 $0x4000;
	[sflag:s0] =	ssyncset.done @!p0 $0x0;
	s1 =	sshrl.u32 s1, $0x3  }
0x2e: {  	s22 =	simm.s32 $0x2;
	[sflag:s0] =	ssyncadd.s32 @!p0 $0xFFFFC000;
	s20 =	sadd.s32 s8, s1  }
0x2f: {  	[tilespmem:s21], [sflag:$0x3] =	stream.linear.gather [hbm4b:s20+s4], $0x4000, $0x38;
	[tilespmem:$0x13280] =	vst v63  }
0x30: {  	_ =	swait.ge [sflag:s22], $0x4000  }
0x31: {  	s28 =	sshll.u32 s25, $0x8;
	s29 =	simm.s32 $0xFFFFFFF0;
	[sflag:s22] =	ssyncset.done $0x0  }
0x32: {  	s30 =	simm.s32 $0x8400;
	s31 =	simm.s32 $0x400;
	[sflag:s22] =	ssyncadd.s32 $0xFFFFC000  }
.LBB2_3:
0x33: {  	s0 =	rddreg [dreg:$0x4]  }
0x34: {  	s1 =	sadd.s32 s29, s0  }
0x35: {  	v8 =	vld [tilespmem:s31+$0xFFFFFC00];
	s0 =	sadd.s32 $0x10, s1  }
0x36: {  	v10 =	vld [tilespmem:s31+$0xFFFFFC10];
	s2 =	sshll.u32 s0, $0x8  }
0x37: {  	v12 =	vld [tilespmem:s31+$0xFFFFFC20];
	p0 =	slt.u32 s0, $0xC8;
	s0 =	sadd.s32 $0xFFFF3800, s2  }
0x38: {  	v14 =	vld [tilespmem:s31+$0xFFFFFC30];
	s0 =	smov.u32 @p0 s2  }
0x39: {  	v16 =	vld [tilespmem:s31+$0xFFFFFC80];
	s0 =	sshra.s32 s0, $0x2  }
0x3a: {  	v9 =	vld [tilespmem:s0+$0x10000]  }
0x3b: {  	v11 =	vld [tilespmem:s0+$0x10010]  }
0x3c: {  	s22 =	sadd.s32 $0x11, s1;
	v13 =	vld [tilespmem:s0+$0x10020]  }
0x3d: {  	v15 =	vld [tilespmem:s0+$0x10030];
	s0 =	sshll.u32 s22, $0x6  }
0x3e: {  	v38 =	vld [tilespmem:s31+$0xFFFFFCA0];
	p0 =	slt.u32 s22, $0xC8;
	s2 =	sadd.s32 $0xFFFFCE00, s0  }
0x3f: {  	v20 =	vld [tilespmem:s31+$0xFFFFFCB0];
	s2 =	smov.u32 @p0 s0  }
0x40: {  	v17 =	vld [tilespmem:s2+$0x10000];
	s0 =	sand.u32 $0x3E00, s2  }
0x41: {  	v36 =	vld [tilespmem:s0+$0x10050]  }
0x42: {  	v39 =	vld [tilespmem:s0+$0x10060];
	v0 =	vadd.f32 v9, v8;
	v50 =	vadd.f32 v11, v10  }
0x43: {  	v41 =	vld [tilespmem:s0+$0x10070];
	v49 =	vadd.f32 v13, v12;
	v44 =	vadd.f32 v15, v14  }
0x44: {  	v8 =	vld [tilespmem:s31+$0xFFFFFC90];
	v37 =	vmul.f32 v0, v0;
	v11 =	vmul.f32 v50, v50  }
0x45: {  	v13 =	vmul.f32 v49, v49;
	v14 =	vmul.f32 v44, v44;
	v18 =	vadd.f32 v50, v0  }
0x46: {  	v19 =	vadd.f32 v44, v49;
	v47 =	vadd.f32 v17, v16  }
0x47: {  	v10 =	vadd.f32 v11, v37;
	v40 =	vadd.f32 v14, v13  }
0x48: {  	v42 =	vadd.f32 v19, v18;
	v22 =	vadd.f32 v39, v38  }
0x49: {  	v25 =	vadd.f32 v41, v20;
	v48 =	vadd.f32 v36, v8  }
0x4a: {  	s3 =	sadd.s32 $0x12, s1;
	v8 =	vmul.f32 v47, v47;
	v10 =	vadd.f32 v40, v10;
	v45 =	vmul.f32 v22, v22  }
0x4b: {  	v43 =	vld [tilespmem:s31+$0xFFFFFD00];
	s2 =	sshll.u32 s3, $0x8;
	(xrf2) =	vadd.scan.msk.f32 $0xffff, v42;
	v46 =	vmul.f32 v25, v25;
	v9 =	vmul.f32 v48, v48  }
0x4c: {  	v53 =	vld [tilespmem:s31+$0xFFFFFD10];
	p0 =	slt.u32 s3, $0xC8;
	s0 =	sadd.s32 $0xFFFF3800, s2;
	v15 =	vadd.f32 v25, v22;
	v52 =	vadd.f32 v48, v47;
	(xrf2) =	vadd.scan.msk.f32 $0xffff, v10  }
0x4d: {  	v57 =	vld [tilespmem:s31+$0xFFFFFD20];
	s0 =	smov.u32 @p0 s2;
	v54 =	vadd.f32 v46, v45;
	v8 =	vadd.f32 v9, v8  }
0x4e: {  	v59 =	vld [tilespmem:s31+$0xFFFFFD30];
	s0 =	sshra.s32 s0, $0x2;
	v56 =	vadd.f32 v15, v52  }
0x4f: {  	v51 =	vld [tilespmem:s0+$0x10000];
	v8 =	vadd.f32 v54, v8  }
0x50: {  	v55 =	vld [tilespmem:s0+$0x10010];
	(xrf2) =	vadd.scan.msk.f32 $0xffff, v56  }
0x51: {  	v58 =	vld [tilespmem:s0+$0x10020];
	(xrf2) =	vadd.scan.msk.f32 $0xffff, v8  }
0x52: {  	v8 =	vld [tilespmem:s0+$0x10030];
	_ =	sdelay $0x2  }
0x53: {  	v39 =	vadd.f32 v51, v43;
	v38 =	vadd.f32 v55, v53;
	v60, _, _ =	vpop (xrf2)  }
0x54: {  	s4 =	sadd.s32 $0x13, s1;
	v36 =	vadd.f32 v58, v57;
	(v2sf) =	vpush v60, $0xF;
	v61, _, _ =	vpop (xrf2)  }
0x55: {  	v62 =	vld [tilespmem:s31+$0xFFFFFD80];
	s2 =	sshll.u32 s4, $0x6;
	v30 =	vadd.f32 v8, v59;
	(v2sf) =	vpush v61, $0xF  }
0x56: {  	v32 =	vld [tilespmem:s31+$0xFFFFFDA0];
	p0 =	slt.u32 s4, $0xC8;
	v24 =	vmul.f32 v39, v39;
	v11 =	vmul.f32 v38, v38;
	s0 =	sadd.s32 $0xFFFFCE00, s2  }
0x57: {  	v41 =	vld [tilespmem:s31+$0xFFFFFDB0];
	v29 =	vmul.f32 v36, v36;
	v33 =	vadd.f32 v38, v39;
	s0 =	smov.u32 @p0 s2;
	v31 =	vmul.f32 v30, v30  }
0x58: {  	v9 =	vadd.f32 v11, v24;
	v63 =	vld [tilespmem:s0+$0x10000];
	s0 =	sand.u32 $0x3E80, s0;
	v34 =	vadd.f32 v30, v36;
	v37, _, _ =	vpop (xrf2)  }
0x59: {  	v26 =	vld [tilespmem:s0+$0x10050];
	v40 =	vadd.f32 v31, v29;
	(v2sf) =	vpush v37, $0xF;
	v42, _, _ =	vpop (xrf2)  }
0x5a: {  	s5 =	sadd.s32 $0x14, s1;
	v35 =	vld [tilespmem:s0+$0x10060];
	v17 =	vadd.f32 v34, v33;
	(v2sf) =	vpush v42, $0xF  }
0x5b: {  	s2 =	sshll.u32 s5, $0x8;
	v43 =	vld [tilespmem:s0+$0x10070];
	v9 =	vadd.f32 v40, v9  }
0x5c: {  	p0 =	slt.u32 s5, $0xC8;
	s0 =	sadd.s32 $0xFFFF3800, s2;
	v8 =	vld [tilespmem:s31+$0xFFFFFD90];
	(xrf2) =	vadd.scan.msk.f32 $0xffff, v17  }
0x5d: {  	v53 =	vld [tilespmem:s31+$0xFFFFFE10];
	s0 =	smov.u32 @p0 s2;
	(xrf2) =	vadd.scan.msk.f32 $0xffff, v9  }
0x5e: {  	v58 =	vld [tilespmem:s31+$0xFFFFFE20];
	s2 =	sshra.s32 s0, $0x2  }
0x5f: {  	v51 =	vld [tilespmem:s2+$0x10000]  }
0x60: {  	v56 =	vld [tilespmem:s2+$0x10010];
	v28 =	vadd.f32 v63, v62;
	v32 =	vadd.f32 v35, v32  }
0x61: {  	v60 =	vld [tilespmem:s2+$0x10020];
	v31 =	vadd.f32 v43, v41;
	v46 =	vadd.f32 v26, v8  }
0x62: {  	v62 =	vld [tilespmem:s31+$0xFFFFFE30];
	v10 =	vmul.f32 v28, v28  }
0x63: {  	v63 =	vld [tilespmem:s2+$0x10030];
	v54 =	vmul.f32 v32, v32;
	v18 =	vadd.f32 v31, v32;
	v57 =	vadd.f32 v46, v28;
	s7 =	spop (v2sf)  }
0x64: {  	v8 =	vld [tilespmem:s31+$0xFFFFFE00];
	v55 =	vmul.f32 v31, v31;
	v52 =	vmul.f32 v46, v46;
	s0 =	smul.f32 $1.562500000e-02, s7;
	s3 =	spop (v2sf)  }
0x65: {  	v24 =	vadd.f32 v56, v53;
	v61 =	vadd.f32 v18, v57;
	s3 =	smul.f32 $1.562500000e-02, s3  }
0x66: {  	s9 =	sadd.s32 $0x15, s1;
	v59 =	vadd.f32 v55, v54;
	v10 =	vadd.f32 v52, v10;
	v26, _, _ =	vpop (xrf2);
	s5 =	smul.f32 s0, s0  }
0x67: {  	p0 =	slt.u32 s9, $0xC8;
	v23 =	vadd.f32 v60, v58;
	(xrf2) =	vadd.scan.msk.f32 $0xffff, v61;
	(v2sf) =	vpush v26, $0xF;
	v27, _, _ =	vpop (xrf2)  }
0x68: {  	v10 =	vadd.f32 v59, v10;
	s3 =	ssub.f32 s3, s5;
	s5 =	sshll.u32 s9, $0x6;
	(v2sf) =	vpush v27, $0xF;
	s9 =	spop (v2sf)  }
0x69: {  	v29 =	vld [tilespmem:s31+$0xFFFFFE80];
	v17 =	vadd.f32 v63, v62;
	v15 =	vadd.f32 v51, v8;
	s11 =	smul.f32 $1.562500000e-02, s9;
	s15 =	spop (v2sf)  }
0x6a: {  	v33 =	vld [tilespmem:s31+$0xFFFFFE90];
	(xrf2) =	vadd.scan.msk.f32 $0xffff, v10;
	s3 =	sadd.f32 $9.999999740e-06, s3;
	s9 =	smul.f32 $1.562500000e-02, s15  }
0x6b: {  	v41 =	vld [tilespmem:s31+$0xFFFFFEA0];
	v43 =	vadd.f32 v17, v23;
	v42 =	vadd.f32 v24, v15;
	s2 =	sadd.s32 $0xFFFFCE00, s5;
	s12 =	smul.f32 s11, s11  }
0x6c: {  	v12 =	vmul.f32 v24, v24;
	v37 =	vmul.f32 v23, v23;
	v51 =	vld [tilespmem:s31+$0xFFFFFEB0];
	s2 =	smov.u32 @p0 s5;
	s10 =	smul.f32 $5.000000000e-01, s3;
	s3 =	sshra.s32 s3, $0x1  }
0x6d: {  	v40 =	vmul.f32 v17, v17;
	v34 =	vmul.f32 v15, v15;
	v52 =	vadd.f32 v43, v42;
	v8 =	vld [tilespmem:s2+$0x10000];
	s2 =	sand.u32 $0x3F00, s2;
	s3 =	ssub.s32 $0x5F3759DF, s3;
	s9 =	ssub.f32 s9, s12  }
0x6e: {  	v35 =	vld [tilespmem:s2+$0x10050];
	s13 =	smul.f32 s3, s10  }
0x6f: {  	v45 =	vadd.f32 v40, v37;
	v11 =	vadd.f32 v12, v34;
	(xrf2) =	vadd.scan.msk.f32 $0xffff, v52;
	v21 =	vld [tilespmem:s2+$0x10060];
	s9 =	sadd.f32 $9.999999740e-06, s9  }
0x70: {  	v53 =	vld [tilespmem:s2+$0x10070];
	s16 =	smul.f32 s3, s13  }
0x71: {  	v11 =	vadd.f32 v45, v11;
	v54, _, _ =	vpop (xrf2);
	s14 =	sshra.s32 s9, $0x1;
	s9 =	smul.f32 $5.000000000e-01, s9  }
0x72: {  	(v2sf) =	vpush v54, $0xF;
	s12 =	ssub.f32 $1.500000000e+00, s16;
	s18 =	ssub.s32 $0x5F3759DF, s14  }
0x73: {  	s17 =	sadd.s32 $0x16, s1;
	(xrf2) =	vadd.scan.msk.f32 $0xffff, v11;
	v26 =	vadd.f32 v8, v29;
	s19 =	smul.f32 s18, s9  }
0x74: {  	v59 =	vld [tilespmem:s31+$0xFFFFFF10];
	s13 =	sshll.u32 s17, $0x8;
	v55, _, _ =	vpop (xrf2);
	v56 =	vadd.f32 v35, v33;
	v18 =	vadd.f32 v21, v41;
	s3 =	smul.f32 s3, s12  }
0x75: {  	v34 =	vld [tilespmem:s31+$0xFFFFFF30];
	p0 =	slt.u32 s17, $0xC8;
	s2 =	sadd.s32 $0xFFFF3800, s13;
	v1 =	vadd.f32 v53, v51;
	(v2sf) =	vpush v55, $0xF;
	s14 =	smul.f32 s18, s19  }
0x76: {  	v8 =	vld [tilespmem:s31+$0xFFFFFF00];
	s2 =	smov.u32 @p0 s13;
	v10 =	vmul.f32 v26, v26;
	v58 =	vmul.f32 v56, v56;
	s20 =	spop (v2sf);
	s5 =	smul.f32 s3, s10  }
0x77: {  	[tilespmem:$0x1FEC0] =	vst v26;
	s2 =	sshra.s32 s2, $0x2;
	v60 =	vmul.f32 v18, v18;
	v14 =	vmul.f32 v1, v1;
	v62 =	vadd.f32 v56, v26;
	v26 =	vld [tilespmem:s31+$0xFFFFFF20];
	s13 =	smul.f32 $1.562500000e-02, s20;
	s15 =	spop (v2sf)  }
0x78: {  	v63 =	vadd.f32 v1, v18;
	v57 =	vld [tilespmem:s2+$0x10000];
	s15 =	smul.f32 $1.562500000e-02, s15  }
0x79: {  	v37, _, _ =	vpop (xrf2);
	v61 =	vld [tilespmem:s2+$0x10010];
	v10 =	vadd.f32 v58, v10;
	v27 =	vadd.f32 v14, v60;
	s14 =	ssub.f32 $1.500000000e+00, s14;
	s17 =	smul.f32 s13, s13  }
0x7a: {  	v29 =	vld [tilespmem:s2+$0x10020];
	v33 =	vadd.f32 v63, v62;
	(v2sf) =	vpush v37, $0xF;
	s19 =	smul.f32 s5, s3  }
0x7b: {  	v35 =	vld [tilespmem:s2+$0x10030];
	v10 =	vadd.f32 v27, v10;
	s5 =	smul.f32 s18, s14  }
0x7c: {  	(xrf2) =	vadd.scan.msk.f32 $0xffff, v33;
	s15 =	ssub.f32 s15, s17  }
0x7d: {  	s21 =	sadd.s32 $0x17, s1;
	v41 =	vld [tilespmem:s31+$0xFFFFFF80];
	v40, _, _ =	vpop (xrf2);
	(xrf2) =	vadd.scan.msk.f32 $0xffff, v10;
	s14 =	smul.f32 s5, s9  }
0x7e: {  	v51 =	vld [tilespmem:s31+$0xFFFFFF90];
	s17 =	sshll.u32 s21, $0x6;
	(v2sf) =	vpush v40, $0xF;
	s22 =	sadd.f32 $9.999999740e-06, s15  }
0x7f: {  	p0 =	slt.u32 s21, $0xC8;
	[tilespmem:$0x1FED0] =	vst v56;
	v56 =	vld [tilespmem:s31+$0xFFFFFFA0];
	v42 =	vadd.f32 v57, v8;
	v43 =	vadd.f32 v61, v59;
	s12 =	sadd.s32 $0xFFFFCE00, s17;
	s14 =	smul.f32 s14, s5  }
0x80: {  	[tilespmem:$0x1FEF0] =	vst v1;
	v45 =	vadd.f32 v29, v26;
	v1 =	vadd.f32 v35, v34;
	v59 =	vld [tilespmem:s31+$0xFFFFFFB0];
	s12 =	smov.u32 @p0 s17;
	s15 =	sshra.s32 s22, $0x1;
	s9 =	smul.f32 $5.000000000e-01, s22  }
0x81: {  	v54 =	vmul.f32 v42, v42;
	v55 =	vmul.f32 v43, v43;
	v8 =	vld [tilespmem:s12+$0x10000];
	s4 =	sor.u32 $0x50, s12;
	s17 =	ssub.s32 $0x5F3759DF, s15;
	s7 =	spop (v2sf)  }
0x82: {  	v57 =	vmul.f32 v45, v45;
	v58 =	vmul.f32 v1, v1;
	s20 =	sor.u32 $0x60, s12;
	v53 =	vld [tilespmem:s4+$0x10000];
	s14 =	ssub.f32 $1.500000000e+00, s14;
	s15 =	smul.f32 s17, s9  }
0x83: {  	v52 =	vadd.f32 v43, v42;
	v14 =	vadd.f32 v1, v45;
	s12 =	sor.u32 $0x70, s12;
	v33 =	vld [tilespmem:s20+$0x10000];
	s2 =	smul.f32 $1.562500000e-02, s7  }
0x84: {  	v16 =	vadd.f32 v55, v54;
	v60 =	vadd.f32 v58, v57;
	v34 =	vld [tilespmem:s12+$0x10000];
	s21 =	spop (v2sf);
	s20 =	smul.f32 s14, s5  }
0x85: {  	s10 =	sadd.s32 $0x18, s1;
	s21 =	smul.f32 $1.562500000e-02, s21  }
0x86: {  	s19 =	ssub.f32 $1.500000000e+00, s19;
	v11 =	vadd.f32 v14, v52;
	s22 =	sshll.u32 s10, $0x8;
	v16 =	vadd.f32 v60, v16;
	v61, _, _ =	vpop (xrf2);
	s16 =	smul.f32 s2, s2  }
0x87: {  	v63 =	vld [tilespmem:s31+$0x0];
	p0 =	slt.u32 s10, $0xC8;
	s12 =	sadd.s32 $0xFFFF3800, s22;
	s18 =	smul.f32 s17, s15;
	(v2sf) =	vpush v61, $0xF;
	v26 =	vadd.f32 v8, v41;
	v62, _, _ =	vpop (xrf2)  }
0x88: {  	v27 =	vld [tilespmem:s31+$0xB0];
	[tilespmem:$0x1FF50] =	vst v45;
	s12 =	smov.u32 @p0 s22;
	(xrf2) =	vadd.scan.msk.f32 $0xffff, v11;
	s15 =	smul.f32 s19, s3;
	v45 =	vadd.f32 v53, v51;
	s4 =	ssub.f32 s21, s16;
	(v2sf) =	vpush v62, $0xF  }
0x89: {  	[tilespmem:$0x1FF60] =	vst v1;
	v14 =	vld [tilespmem:s31+$0xA0];
	s10 =	sshra.s32 s12, $0x2;
	(xrf2) =	vadd.scan.msk.f32 $0xffff, v16;
	v51 =	vadd.f32 v33, v56;
	v1 =	vadd.f32 v34, v59;
	s7 =	ssub.f32 $1.500000000e+00, s18;
	s18 =	spop (v2sf)  }
0x8a: {  	v29 =	vld [tilespmem:s10+$0x10000];
	v54 =	vmul.f32 v26, v26;
	s12 =	smul.f32 $1.562500000e-02, s18  }
0x8b: {  	v8 =	vld [tilespmem:s31+$0x10];
	v10 =	vadd.f32 v45, v26;
	v21 =	vadd.f32 v1, v51;
	v55 =	vmul.f32 v45, v45;
	s16 =	sadd.f32 $9.999999740e-06, s4;
	s5 =	smul.f32 s17, s7  }
0x8c: {  	v52 =	vld [tilespmem:s10+$0x10010];
	v37 =	vmul.f32 v51, v51;
	v40 =	vmul.f32 v1, v1;
	s7 =	smul.f32 s12, s12  }
0x8d: {  	v35 =	vld [tilespmem:s10+$0x10020];
	v10 =	vadd.f32 v21, v10;
	s14 =	smul.f32 $5.000000000e-01, s16;
	s22 =	sshra.s32 s16, $0x1;
	s21 =	spop (v2sf)  }
0x8e: {  	v41 =	vld [tilespmem:s31+$0x30];
	v56 =	vadd.f32 v55, v54;
	v57 =	vadd.f32 v40, v37;
	s4 =	ssub.s32 $0x5F3759DF, s22;
	s3 =	smul.f32 $1.562500000e-02, s21  }
0x8f: {  	[tilespmem:$0x1FF30] =	vst v42;
	v42 =	vld [tilespmem:s10+$0x10030];
	s16 =	smul.f32 s4, s14  }
0x90: {  	v53 =	vld [tilespmem:s31+$0x20];
	s18 =	sadd.s32 $0x19, s1;
	s9 =	smul.f32 s5, s9;
	v21 =	vadd.f32 v57, v56;
	(xrf2) =	vadd.scan.msk.f32 $0xffff, v10;
	s3 =	ssub.f32 s3, s7  }
0x91: {  	v60 =	vld [tilespmem:s31+$0x80];
	s17 =	sshll.u32 s18, $0x6;
	s19 =	smul.f32 s4, s16  }
0x92: {  	p0 =	slt.u32 s18, $0xC8;
	v33 =	vadd.f32 v29, v63;
	v63 =	vld [tilespmem:s31+$0x90];
	s21 =	sadd.s32 $0xFFFFCE00, s17;
	v58, _, _ =	vpop (xrf2);
	(xrf2) =	vadd.scan.msk.f32 $0xffff, v21;
	s3 =	sadd.f32 $9.999999740e-06, s3  }
0x93: {  	v59 =	vadd.f32 v52, v8;
	v55 =	vld [tilespmem:s31+$0x130];
	s21 =	smov.u32 @p0 s17;
	s17 =	smul.f32 s9, s5;
	(v2sf) =	vpush v58, $0xF;
	v8, _, _ =	vpop (xrf2);
	s19 =	ssub.f32 $1.500000000e+00, s19  }
0x94: {  	(v2sf) =	vpush v8, $0xF;
	v8 =	vld [tilespmem:s21+$0x10000];
	s21 =	sand.u32 $0x3E00, s21;
	s22 =	sshra.s32 s3, $0x1;
	s16 =	smul.f32 $5.000000000e-01, s3  }
0x95: {  	[tilespmem:$0x1FF90] =	vst v1;
	v1 =	vadd.f32 v42, v41;
	v21 =	vadd.f32 v35, v53;
	v13 =	vld [tilespmem:s21+$0x10050];
	s9 =	smul.f32 s4, s19;
	s10 =	ssub.s32 $0x5F3759DF, s22  }
0x96: {  	[tilespmem:$0x1FEE0] =	vst v18;
	v61 =	vadd.f32 v59, v33;
	s7 =	sadd.s32 $0x1A, s1;
	v19 =	vld [tilespmem:s21+$0x10060];
	s4 =	spop (v2sf);
	s19 =	smul.f32 s10, s16  }
0x97: {  	[tilespmem:$0x1FF80] =	vst v51;
	v16 =	vmul.f32 v33, v33;
	v18 =	vmul.f32 v59, v59;
	v62 =	vadd.f32 v1, v21;
	v51 =	vld [tilespmem:s21+$0x10070];
	s3 =	smul.f32 $1.562500000e-02, s4;
	s4 =	sshll.u32 s7, $0x8;
	s18 =	spop (v2sf)  }
0x98: {  	[tilespmem:$0x1FF40] =	vst v43;
	v43 =	vmul.f32 v1, v1;
	v57 =	vld [tilespmem:s31+$0x110];
	v20 =	vmul.f32 v21, v21;
	p0 =	slt.u32 s7, $0xC8;
	s22 =	sadd.s32 $0xFFFF3800, s4;
	s18 =	smul.f32 $1.562500000e-02, s18  }
0x99: {  	[tilespmem:$0x1FFA0] =	vst v59;
	v59 =	vld [tilespmem:s31+$0x120];
	v37 =	vadd.f32 v18, v16;
	v10 =	vadd.f32 v62, v61;
	s7 =	smul.f32 s3, s3;
	s22 =	smov.u32 @p0 s4  }
0x9a: {  	v53 =	vld [tilespmem:s31+$0x100];
	s21 =	ssub.f32 $1.500000000e+00, s17;
	v29 =	vadd.f32 v43, v20;
	v52, _, _ =	vpop (xrf2);
	v40 =	vadd.f32 v8, v60;
	s17 =	smul.f32 s10, s19;
	s19 =	sshra.s32 s22, $0x2  }
0x9b: {  	[tilespmem:$0x1FF70] =	vst v45;
	(v2sf) =	vpush v52, $0xF;
	v41 =	vadd.f32 v13, v63;
	v45 =	vld [tilespmem:s19+$0x10000]  }
0x9c: {  	v11 =	vmov s0;
	s14 =	smul.f32 s9, s14;
	v20 =	vadd.f32 v19, v14;
	v43 =	vadd.f32 v51, v27;
	v54, _, _ =	vpop (xrf2);
	s7 =	ssub.f32 s18, s7;
	v58 =	vld [tilespmem:s19+$0x10010]  }
0x9d: {  	(xrf2) =	vadd.scan.msk.f32 $0xffff, v10;
	s21 =	smul.f32 s21, s5;
	v37 =	vadd.f32 v29, v37;
	v60 =	vmul.f32 v40, v40;
	s5 =	ssub.f32 $1.500000000e+00, s17;
	(v2sf) =	vpush v54, $0xF;
	v8 =	vld [tilespmem:s19+$0x10020]  }
0x9e: {  	s14 =	smul.f32 s14, s9;
	v56 =	vld [tilespmem:s19+$0x10030];
	v35 =	vadd.f32 v41, v40;
	v13 =	vadd.f32 v43, v20;
	v62 =	vmul.f32 v41, v41;
	s7 =	sadd.f32 $9.999999740e-06, s7  }
0x9f: {  	v51 =	vsub.f32 v0, v11;
	v63 =	vmul.f32 v20, v20;
	v0 =	vmul.f32 v43, v43;
	s22 =	smul.f32 s10, s5  }
0xa0: {  	v61 =	vadd.f32 v13, v35;
	s10 =	sshra.s32 s7, $0x1;
	s5 =	smul.f32 $5.000000000e-01, s7  }
0xa1: {  	(xrf2) =	vadd.scan.msk.f32 $0xffff, v37;
	v14 =	vadd.f32 v62, v60;
	v0 =	vadd.f32 v0, v63;
	s7 =	smul.f32 s22, s16;
	s4 =	ssub.s32 $0x5F3759DF, s10  }
0xa2: {  	s17 =	spop (v2sf);
	v37 =	vadd.f32 v45, v53;
	v34 =	vadd.f32 v58, v57;
	s10 =	smul.f32 s4, s5  }
0xa3: {  	[tilespmem:$0x1FFB0] =	vst v1;
	v35 =	vadd.f32 v8, v59;
	v1 =	vadd.f32 v56, v55;
	s0 =	smul.f32 $1.562500000e-02, s17;
	s18 =	spop (v2sf)  }
0xa4: {  	v52 =	vld [tilespmem:s31+$0x230];
	v0 =	vadd.f32 v0, v14;
	s17 =	sadd.s32 $0x1B, s1;
	s16 =	smul.f32 $1.562500000e-02, s18  }
0xa5: {  	s14 =	ssub.f32 $1.500000000e+00, s14;
	v14 =	vld [tilespmem:s31+$0x1A0];
	s19 =	sshll.u32 s17, $0x6;
	v53 =	vadd.f32 v34, v37;
	v18 =	vadd.f32 v1, v35;
	s18 =	smul.f32 s0, s0  }
0xa6: {  	v50 =	vsub.f32 v50, v11;
	v8 =	vld [tilespmem:s31+$0x180];
	p0 =	slt.u32 s17, $0xC8;
	s10 =	smul.f32 s4, s10;
	s17 =	sadd.s32 $0xFFFFCE00, s19  }
0xa7: {  	v19 =	vmul.f32 s15, v4;
	v13 =	vmul.f32 s15, v5;
	v12, _, _ =	vpop (xrf2);
	v58 =	vld [tilespmem:s31+$0x190];
	(xrf2) =	vadd.scan.msk.f32 $0xffff, v61;
	s17 =	smov.u32 @p0 s19;
	v27 =	vadd.f32 v18, v53;
	s16 =	ssub.f32 s16, s18  }
0xa8: {  	v49 =	vsub.f32 v49, v11;
	s14 =	smul.f32 s14, s9;
	(xrf2) =	vadd.scan.msk.f32 $0xffff, v0;
	v29 =	vmul.f32 v37, v37;
	v42 =	vmul.f32 v34, v34;
	s19 =	ssub.f32 $1.500000000e+00, s10;
	v10 =	vld [tilespmem:s17+$0x10000]  }
0xa9: {  	s7 =	smul.f32 s7, s22;
	[tilespmem:$0x1FFC0] =	vst v1;
	v45 =	vmul.f32 v1, v1;
	v1 =	vmul.f32 v19, v51;
	(xrf2) =	vadd.scan.msk.f32 $0xffff, v27;
	v27 =	vld [tilespmem:s31+$0x1B0];
	s10 =	sadd.f32 $9.999999740e-06, s16;
	s16 =	sand.u32 $0x3E80, s17  }
0xaa: {  	v11 =	vsub.f32 v44, v11;
	v56 =	vmul.f32 s15, v6;
	v0 =	vmul.f32 v35, v35;
	s18 =	sadd.s32 $0x1C, s1;
	s17 =	smul.f32 s4, s19;
	v9 =	vld [tilespmem:s16+$0x10050]  }
0xab: {  	(v2sf) =	vpush v12, $0xF;
	v16, _, _ =	vpop (xrf2);
	[tilespmem:$0x1FF00] =	vst v1;
	v19 =	vadd.f32 v42, v29;
	v1 =	vmul.f32 v13, v50;
	p0 =	slt.u32 s18, $0xC8;
	s9 =	spop (v2sf);
	v60 =	vld [tilespmem:s16+$0x10060];
	s19 =	smul.f32 $5.000000000e-01, s10  }
0xac: {  	v0 =	vadd.f32 v45, v0;
	v29 =	vmov s11;
	(v2sf) =	vpush v16, $0xF;
	s4 =	sshll.u32 s18, $0x8;
	v12 =	vld [tilespmem:s16+$0x10070];
	s9 =	smul.f32 $1.562500000e-02, s9;
	s16 =	spop (v2sf)  }
0xad: {  	v54 =	vmul.f32 s20, v4;
	v47 =	vsub.f32 v47, v29;
	[tilespmem:$0x1FF10] =	vst v1;
	v1 =	vmul.f32 v56, v49;
	v49 =	vld [tilespmem:s31+$0x200];
	s18 =	sadd.s32 $0xFFFF3800, s4;
	s10 =	sshra.s32 s10, $0x1;
	s16 =	smul.f32 $1.562500000e-02, s16  }
0xae: {  	v42 =	vmul.f32 s15, v7;
	v48 =	vsub.f32 v48, v29;
	v0 =	vadd.f32 v0, v19;
	v56 =	vld [tilespmem:s31+$0x210];
	s18 =	smov.u32 @p0 s4;
	s4 =	ssub.s32 $0x5F3759DF, s10;
	s10 =	smul.f32 s9, s9  }
0xaf: {  	v59 =	vmul.f32 s20, v5;
	s7 =	ssub.f32 $1.500000000e+00, s7;
	v61 =	vsub.f32 v22, v29;
	s18 =	sshra.s32 s18, $0x2;
	v18 =	vadd.f32 v10, v8;
	v8 =	vld [tilespmem:s31+$0x220];
	s11 =	smul.f32 s4, s19  }
0xb0: {  	v63 =	vsub.f32 v25, v29;
	v57 =	vmul.f32 v42, v11;
	(xrf2) =	vadd.scan.msk.f32 $0xffff, v0;
	s5 =	smul.f32 s17, s5;
	v50 =	vld [tilespmem:s18+$0x10000];
	s10 =	ssub.f32 s16, s10;
	v19 =	vadd.f32 v9, v58  }
0xb1: {  	v55, _, _ =	vpop (xrf2);
	v0 =	vld [tilespmem:s18+$0x10010];
	s11 =	smul.f32 s4, s11;
	v58 =	vmul.f32 v54, v47;
	v47 =	vadd.f32 v60, v14;
	v44 =	vadd.f32 v12, v27  }
0xb2: {  	s22 =	smul.f32 s7, s22;
	v10 =	vld [tilespmem:s18+$0x10020];
	(v2sf) =	vpush v55, $0xF;
	v42 =	vmul.f32 v18, v18;
	v14 =	vmul.f32 s20, v6;
	s15 =	sadd.f32 $9.999999740e-06, s10  }
0xb3: {  	v29, _, _ =	vpop (xrf2);
	v55 =	vld [tilespmem:s18+$0x10030];
	s10 =	smul.f32 s5, s17;
	s5 =	ssub.f32 $1.500000000e+00, s11;
	s11 =	sadd.s32 $0x1D, s1;
	v16 =	vadd.f32 v19, v18;
	v53 =	vadd.f32 v44, v47;
	v45 =	vmul.f32 v19, v19  }
0xb4: {  	v25 =	vld [tilespmem:s31+$0x280];
	(v2sf) =	vpush v29, $0xF;
	v54 =	vmul.f32 v47, v47;
	v13 =	vmul.f32 v44, v44;
	s7 =	sshll.u32 s11, $0x6;
	s16 =	sshra.s32 s15, $0x1;
	s15 =	smul.f32 $5.000000000e-01, s15  }
0xb5: {  	v60 =	vmul.f32 v14, v61;
	v61 =	vld [tilespmem:s31+$0x2A0];
	p0 =	slt.u32 s11, $0xC8;
	v51 =	vadd.f32 v50, v49;
	s11 =	sadd.s32 $0xFFFFCE00, s7;
	v9 =	vadd.f32 v53, v16;
	s16 =	ssub.s32 $0x5F3759DF, s16  }
0xb6: {  	v16 =	vadd.f32 v45, v42;
	v22 =	vadd.f32 v13, v54;
	v54 =	vld [tilespmem:s31+$0x290];
	s11 =	smov.u32 @p0 s7;
	s18 =	smul.f32 s16, s15  }
0xb7: {  	v59 =	vmul.f32 v59, v48;
	v48 =	vadd.f32 v0, v56;
	v50 =	vadd.f32 v10, v8;
	s5 =	smul.f32 s4, s5;
	v53 =	vld [tilespmem:s11+$0x10000]  }
0xb8: {  	v27 =	vmul.f32 s20, v7;
	v12, _, _ =	vpop (xrf2);
	v49 =	vadd.f32 v55, v52;
	v11 =	vadd.f32 v22, v16;
	v16 =	vld [tilespmem:s31+$0x2B0];
	s4 =	smul.f32 s16, s18;
	s18 =	sand.u32 $0x3F00, s11  }
0xb9: {  	(v2sf) =	vpush v12, $0xF;
	v42 =	vmul.f32 v51, v51;
	v45 =	vmul.f32 v48, v48;
	(xrf2) =	vadd.scan.msk.f32 $0xffff, v9;
	v0 =	vld [tilespmem:s18+$0x10050]  }
0xba: {  	s7 =	spop (v2sf);
	v29, _, _ =	vpop (xrf2);
	v12 =	vmul.f32 v50, v50;
	v52 =	vmul.f32 v49, v49;
	v13 =	vadd.f32 v48, v51;
	v8 =	vld [tilespmem:s18+$0x10060]  }
0xbb: {  	v56 =	vmul.f32 v27, v63;
	v14 =	vadd.f32 v49, v50;
	(v2sf) =	vpush v29, $0xF;
	s11 =	smul.f32 $1.562500000e-02, s7;
	s7 =	spop (v2sf);
	(xrf2) =	vadd.scan.msk.f32 $0xffff, v11;
	v55 =	vld [tilespmem:s18+$0x10070]  }
0xbc: {  	v22 =	vmov s13;
	v9 =	vadd.f32 v45, v42;
	v10 =	vadd.f32 v52, v12;
	s7 =	smul.f32 $1.562500000e-02, s7;
	s4 =	ssub.f32 $1.500000000e+00, s4  }
0xbd: {  	v39 =	vsub.f32 v39, v22;
	v42 =	vmul.f32 s21, v4;
	v45 =	vsub.f32 v38, v22;
	s18 =	smul.f32 s5, s19;
	s19 =	sadd.s32 $0x1E, s1  }
0xbe: {  	s10 =	ssub.f32 $1.500000000e+00, s10;
	v12 =	vmul.f32 s21, v5;
	v11 =	vadd.f32 v14, v13;
	v9 =	vadd.f32 v10, v9;
	s4 =	smul.f32 s16, s4;
	s16 =	sshll.u32 s19, $0x8  }
0xbf: {  	v27 =	vld [tilespmem:s31+$0x300];
	v62 =	vmul.f32 v42, v39;
	s20 =	smul.f32 s11, s11;
	p0 =	slt.u32 s19, $0xC8;
	v53 =	vadd.f32 v53, v25;
	s19 =	sadd.s32 $0xFFFF3800, s16;
	v52 =	vadd.f32 v0, v54  }
0xc0: {  	v63 =	vld [tilespmem:s31+$0x320];
	s17 =	smul.f32 s10, s17;
	v12 =	vmul.f32 v12, v45;
	s19 =	smov.u32 @p0 s16;
	v39 =	vadd.f32 v8, v61;
	v38 =	vadd.f32 v55, v16  }
0xc1: {  	v10 =	vsub.f32 v36, v22;
	(xrf2) =	vadd.scan.msk.f32 $0xffff, v11;
	v11 =	vmul.f32 s21, v6;
	s18 =	smul.f32 s18, s5;
	s7 =	ssub.f32 s7, s20;
	v14 =	vmul.f32 v53, v53;
	v8 =	vld [tilespmem:s31+$0x310];
	s10 =	sshra.s32 s19, $0x2  }
0xc2: {  	s15 =	smul.f32 s4, s15;
	v25 =	vld [tilespmem:s10+$0x10000];
	v36 =	vadd.f32 v52, v53;
	v13 =	vadd.f32 v38, v39;
	v16 =	vmul.f32 v52, v52  }
0xc3: {  	v22 =	vsub.f32 v30, v22;
	s7 =	sadd.f32 $9.999999740e-06, s7;
	v54 =	vld [tilespmem:s10+$0x10010];
	v42, _, _ =	vpop (xrf2);
	v0 =	vmul.f32 v39, v39;
	v29 =	vmul.f32 v38, v38  }
0xc4: {  	(xrf2) =	vadd.scan.msk.f32 $0xffff, v9;
	s18 =	ssub.f32 $1.500000000e+00, s18;
	s13 =	smul.f32 s15, s4;
	v45 =	vld [tilespmem:s10+$0x10020];
	(v2sf) =	vpush v42, $0xF;
	v9 =	vadd.f32 v13, v36;
	v13 =	vmul.f32 s21, v7  }
0xc5: {  	v11 =	vmul.f32 v11, v10;
	s16 =	spop (v2sf);
	s20 =	sshra.s32 s7, $0x1;
	s19 =	smul.f32 $5.000000000e-01, s7;
	v61 =	vld [tilespmem:s10+$0x10030];
	v55 =	vadd.f32 v16, v14;
	v0 =	vadd.f32 v29, v0;
	v14, _, _ =	vpop (xrf2)  }
0xc6: {  	s15 =	smul.f32 s18, s5;
	s7 =	ssub.s32 $0x5F3759DF, s20;
	s13 =	ssub.f32 $1.500000000e+00, s13;
	v36 =	vld [tilespmem:s31+$0x330];
	(v2sf) =	vpush v14, $0xF;
	v10 =	vmul.f32 v13, v22;
	v22 =	vmov s2  }
0xc7: {  	s18 =	smul.f32 s7, s19;
	(xrf2) =	vadd.scan.msk.f32 $0xffff, v9;
	v29 =	vadd.f32 v0, v55;
	v9 =	vsub.f32 v28, v22  }
0xc8: {  	v16 =	vmul.f32 s14, v4;
	s20 =	smul.f32 s13, s4;
	v13 =	vadd.f32 v25, v27;
	v25 =	vsub.f32 v46, v22  }
0xc9: {  	s1 =	sadd.s32 $0x1F, s1;
	v42 =	vmul.f32 s14, v5;
	s4 =	smul.f32 s7, s18;
	v55 =	vld [tilespmem:s31+$0x380];
	v14 =	vadd.f32 v54, v8;
	v27 =	vsub.f32 v32, v22  }
0xca: {  	s10 =	sshll.u32 s1, $0x6;
	s13 =	smul.f32 $1.562500000e-02, s16;
	s18 =	spop (v2sf);
	v22 =	vsub.f32 v31, v22;
	v28 =	vmul.f32 s14, v6;
	v46 =	vld [tilespmem:s31+$0x3A0];
	v9 =	vmul.f32 v16, v9  }
0xcb: {  	p0 =	slt.u32 s1, $0xC8;
	s5 =	smul.f32 $1.562500000e-02, s18;
	s18 =	sadd.s32 $0xFFFFCE00, s10;
	v54 =	vld [tilespmem:s31+$0x3B0];
	v16 =	vadd.f32 v45, v63;
	v8 =	vmul.f32 v42, v25;
	v30 =	vadd.f32 v61, v36  }
0xcc: {  	s18 =	smov.u32 @p0 s10;
	(xrf2) =	vadd.scan.msk.f32 $0xffff, v29;
	v29 =	vld [tilespmem:s31+$0x390];
	v42 =	vmul.f32 s14, v7;
	v32 =	vadd.f32 v14, v13;
	v25 =	vmul.f32 v28, v27  }
0xcd: {  	s21 =	smul.f32 s13, s13;
	v45 =	vld [tilespmem:s18+$0x10000];
	v63, _, _ =	vpop (xrf2);
	s10 =	sor.u32 $0x50, s18;
	v27 =	vmov s12;
	v28 =	vmul.f32 v14, v14;
	v0 =	vadd.f32 v30, v16  }
0xce: {  	s4 =	ssub.f32 $1.500000000e+00, s4;
	(v2sf) =	vpush v63, $0xF;
	v36 =	vld [tilespmem:s10+$0x10000];
	s10 =	sor.u32 $0x60, s18;
	v15 =	vsub.f32 v15, v27;
	v22 =	vmul.f32 v42, v22  }
0xcf: {  	[tilespmem:$0x1FF20] =	vst v1;
	s14 =	sor.u32 $0x70, s18;
	s21 =	ssub.f32 s5, s21;
	s5 =	spop (v2sf);
	v31, _, _ =	vpop (xrf2);
	v61 =	vld [tilespmem:s10+$0x10000];
	v42 =	vmul.f32 v16, v16;
	v1 =	vmul.f32 v30, v30;
	v0 =	vadd.f32 v0, v32  }
0xd0: {  	s2 =	smul.f32 s7, s4;
	v24 =	vsub.f32 v24, v27;
	v63 =	vmul.f32 v13, v13;
	s7 =	spop (v2sf);
	(v2sf) =	vpush v31, $0xF;
	v31 =	vld [tilespmem:s14+$0x10000]  }
0xd1: {  	v1 =	vadd.f32 v1, v42;
	v42 =	vmul.f32 s22, v5;
	(xrf2) =	vadd.scan.msk.f32 $0xffff, v0;
	v0 =	vsub.f32 v23, v27;
	v23, _, _ =	vpop (xrf2)  }
0xd2: {  	v28 =	vadd.f32 v28, v63;
	(v2sf) =	vpush v23, $0xF;
	v23 =	vmul.f32 s22, v4  }
0xd3: {  	v27 =	vsub.f32 v17, v27;
	v17 =	vadd.f32 v36, v29;
	v29 =	vmul.f32 v42, v24  }
0xd4: {  	v42 =	vmul.f32 s22, v6;
	v63 =	vmul.f32 v23, v15;
	v23 =	vadd.f32 v45, v55  }
0xd5: {  	v24 =	vadd.f32 v31, v54;
	v54 =	vmul.f32 v17, v17;
	v15 =	vadd.f32 v61, v46  }
0xd6: {  	v0 =	vmul.f32 v42, v0;
	v46 =	vmul.f32 v23, v23  }
0xd7: {  	v42 =	vld [tilespmem:$0x1FEF0];
	v61 =	vmul.f32 v24, v24;
	v55 =	vmul.f32 v15, v15  }
0xd8: {  	v31 =	vadd.f32 v54, v46;
	v54 =	vld [tilespmem:$0x1FEC0]  }
0xd9: {  	v1 =	vadd.f32 v1, v28;
	v28 =	vadd.f32 v61, v55;
	v55 =	vld [tilespmem:$0x1FED0]  }
0xda: {  	v61 =	vld [tilespmem:$0x1FEE0];
	_ =	sdelay $0x1  }
0xdb: {  	s1 =	smul.f32 $1.562500000e-02, s5;
	v45, _, _ =	vpop (xrf2)  }
0xdc: {  	s4 =	sadd.f32 $9.999999740e-06, s21;
	s5 =	smul.f32 $1.562500000e-02, s7;
	(v2sf) =	vpush v45, $0xF;
	v45 =	vmov s3  }
0xdd: {  	s16 =	smul.f32 s1, s1;
	v36 =	vsub.f32 v54, v45;
	v32 =	vsub.f32 v55, v45  }
0xde: {  	s21 =	sshra.s32 s4, $0x1;
	s4 =	smul.f32 $5.000000000e-01, s4;
	v54 =	vsub.f32 v61, v45;
	v45 =	vsub.f32 v42, v45;
	v42 =	vmul.f32 s17, v4  }
0xdf: {  	s10 =	ssub.s32 $0x5F3759DF, s21;
	v55 =	vadd.f32 v17, v23;
	v61 =	vadd.f32 v24, v15  }
0xe0: {  	s5 =	ssub.f32 s5, s16;
	s16 =	smul.f32 s10, s4  }
0xe1: {  	s18 =	smul.f32 s2, s19;
	(xrf2) =	vadd.scan.msk.f32 $0xffff, v1;
	v1 =	vadd.f32 v61, v55;
	v55 =	vld [tilespmem:$0x1FF00]  }
0xe2: {  	s12 =	smul.f32 s10, s16;
	v46 =	vmul.f32 s22, v7;
	v36 =	vmul.f32 v42, v36;
	v42 =	vmov v2;
	v2 =	vld [tilespmem:$0x1FFD0]  }
0xe3: {  	s7 =	smul.f32 s18, s2  }
0xe4: {  	s12 =	ssub.f32 $1.500000000e+00, s12  }
0xe5: {  	s7 =	ssub.f32 $1.500000000e+00, s7  }
0xe6: {  	s10 =	smul.f32 s10, s12;
	v27 =	vmul.f32 v46, v27;
	v46, _, _ =	vpop (xrf2);
	v61 =	vld [tilespmem:$0x1FF10]  }
0xe7: {  	s12 =	smul.f32 s7, s2;
	s7 =	spop (v2sf);
	(v2sf) =	vpush v46, $0xF;
	v46 =	vadd.f32 v55, v2;
	v2 =	vld [tilespmem:$0x1FFE0]  }
0xe8: {  	_ =	sdelay $0x3  }
0xe9: {  	v55 =	vadd.f32 v61, v2;
	v2 =	vld [tilespmem:$0x1FF20];
	_ =	sdelay $0x2  }
0xea: {  	v28 =	vadd.f32 v28, v31;
	v31 =	vmul.f32 s17, v5;
	_ =	sdelay $0x1  }
0xeb: {  	v60 =	vadd.f32 v60, v3;
	v31 =	vmul.f32 v31, v32;
	v32 =	vadd.f32 v2, v3;
	v3 =	vld [tilespmem:$0x1FFD0];
	_ =	sdelay $0x2  }
0xec: {  	v61 =	vmul.f32 s17, v6;
	_ =	sdelay $0x1  }
0xed: {  	v54 =	vmul.f32 v61, v54;
	v61 =	vadd.f32 v62, v3;
	v3 =	vld [tilespmem:$0x1FFE0];
	_ =	sdelay $0x4  }
0xee: {  	v12 =	vadd.f32 v12, v3;
	v3 =	vld [tilespmem:$0x1FFF0];
	_ =	sdelay $0x4  }
0xef: {  	v11 =	vadd.f32 v11, v3;
	v3 =	vld [tilespmem:$0x1FFD0];
	_ =	sdelay $0x4  }
0xf0: {  	v9 =	vadd.f32 v9, v3;
	v3 =	vld [tilespmem:$0x1FFE0];
	_ =	sdelay $0x1  }
0xf1: {  	v2 =	vld [tilespmem:$0x1FFD0];
	_ =	sdelay $0x2  }
0xf2: {  	v8 =	vadd.f32 v8, v3;
	v3 =	vld [tilespmem:$0x1FFF0];
	_ =	sdelay $0x1  }
0xf3: {  	v58 =	vadd.f32 v58, v2;
	v2 =	vld [tilespmem:$0x1FFE0];
	_ =	sdelay $0x2  }
0xf4: {  	v25 =	vadd.f32 v25, v3;
	v3 =	vld [tilespmem:$0x1FF30];
	_ =	sdelay $0x1  }
0xf5: {  	s5 =	sadd.f32 $9.999999740e-06, s5;
	v59 =	vadd.f32 v59, v2;
	v2 =	vmul.f32 s17, v7;
	_ =	sdelay $0x1  }
0xf6: {  	s19 =	sshra.s32 s5, $0x1;
	s5 =	smul.f32 $5.000000000e-01, s5;
	v2 =	vmul.f32 v2, v45;
	v45 =	vmov s0  }
0xf7: {  	s14 =	ssub.s32 $0x5F3759DF, s19;
	[tilespmem:s30+$0xFFFFFC00] =	vst v46;
	v46 =	vsub.f32 v3, v45;
	v3 =	vld [tilespmem:$0x1FF40]  }
0xf8: {  	s21 =	smul.f32 s14, s5;
	_ =	sdelay $0x1  }
0xf9: {  	s16 =	smul.f32 s14, s21  }
0xfa: {  	s4 =	smul.f32 s10, s4  }
0xfb: {  	s3 =	ssub.f32 $1.500000000e+00, s16;
	(xrf2) =	vadd.scan.msk.f32 $0xffff, v1;
	v1 =	vadd.f32 v22, v42;
	v22 =	vsub.f32 v3, v45;
	v3 =	vld [tilespmem:$0x1FFD0]  }
0xfc: {  	s4 =	smul.f32 s4, s10  }
0xfd: {  	s19 =	smul.f32 s14, s3  }
0xfe: {  	s14 =	spop (v2sf);
	s3 =	smul.f32 $1.562500000e-02, s7  }
0xff: {  	s7 =	smul.f32 $1.562500000e-02, s14  }
0x100: {  	s16 =	spop (v2sf);
	s18 =	smul.f32 s3, s3;
	(xrf2) =	vadd.scan.msk.f32 $0xffff, v28;
	v28 =	vadd.f32 v63, v3;
	v3 =	vld [tilespmem:$0x1FFE0]  }
0x101: {  	s2 =	smul.f32 $1.562500000e-02, s16;
	s21 =	spop (v2sf)  }
0x102: {  	s5 =	smul.f32 s19, s5;
	s7 =	ssub.f32 s7, s18  }
0x103: {  	s4 =	ssub.f32 $1.500000000e+00, s4;
	s16 =	smul.f32 $1.562500000e-02, s21  }
0x104: {  	s22 =	smul.f32 s2, s2;
	s21 =	sadd.f32 $9.999999740e-06, s7  }
0x105: {  	s14 =	smul.f32 s4, s10;
	v29 =	vadd.f32 v29, v3;
	v3 =	vld [tilespmem:$0x1FFF0]  }
0x106: {  	s22 =	ssub.f32 s16, s22;
	s16 =	sshra.s32 s21, $0x1;
	s21 =	smul.f32 $5.000000000e-01, s21  }
0x107: {  	[tilespmem:s30+$0xFFFFFCA0] =	vst v60;
	v60 =	vld [tilespmem:$0x1FF70];
	s4 =	smul.f32 s5, s19;
	s5 =	ssub.s32 $0x5F3759DF, s16  }
0x108: {  	s18 =	smul.f32 s5, s21  }
0x109: {  	s16 =	spop (v2sf);
	[tilespmem:s30+$0xFFFFFD00] =	vst v61;
	v61 =	vld [tilespmem:$0x1FFD0]  }
0x10a: {  	v56 =	vadd.f32 v56, v42;
	s7 =	smul.f32 s5, s18;
	s18 =	spop (v2sf);
	[tilespmem:s30+$0xFFFFFC10] =	vst v55;
	v0 =	vadd.f32 v0, v3;
	v3 =	vld [tilespmem:$0x1FF50]  }
0x10b: {  	v57 =	vadd.f32 v57, v42;
	v55 =	vmul.f32 s15, v4;
	[tilespmem:s30+$0xFFFFFC80] =	vst v58;
	v58 =	vmov s9;
	s9 =	smul.f32 $1.562500000e-02, s18;
	s17 =	sadd.f32 $9.999999740e-06, s22;
	v63, _, _ =	vpop (xrf2)  }
0x10c: {  	[tilespmem:s30+$0xFFFFFCB0] =	vst v56;
	v56 =	vsub.f32 v60, v58;
	s0 =	smul.f32 $1.562500000e-02, s16;
	(v2sf) =	vpush v63, $0xF;
	v63 =	vmul.f32 s20, v5  }
0x10d: {  	[tilespmem:s30+$0xFFFFFC30] =	vst v57;
	v57 =	vmul.f32 s15, v7;
	v62 =	vmul.f32 s15, v5;
	v60 =	vld [tilespmem:$0x1FF90];
	s22 =	sshra.s32 s17, $0x1;
	s17 =	smul.f32 $5.000000000e-01, s17  }
0x10e: {  	v36 =	vadd.f32 v36, v61;
	[tilespmem:s30+$0xFFFFFD10] =	vst v12;
	s10 =	ssub.s32 $0x5F3759DF, s22;
	s22 =	smul.f32 s0, s0;
	v46 =	vmul.f32 v55, v46;
	v61, _, _ =	vpop (xrf2);
	v12 =	vmul.f32 v63, v56;
	v63 =	vld [tilespmem:$0x1FFE0]  }
0x10f: {  	s4 =	ssub.f32 $1.500000000e+00, s4;
	[tilespmem:s30+$0xFFFFFC20] =	vst v32;
	v55 =	vmul.f32 s15, v6;
	s15 =	smul.f32 s10, s17;
	(v2sf) =	vpush v61, $0xF;
	v32 =	vsub.f32 v3, v45;
	v3 =	vld [tilespmem:$0x1FF60]  }
0x110: {  	s7 =	ssub.f32 $1.500000000e+00, s7;
	v26 =	vsub.f32 v26, v58;
	[tilespmem:s30+$0xFFFFFC90] =	vst v59;
	v22 =	vmul.f32 v62, v22;
	v62 =	vmul.f32 s20, v4  }
0x111: {  	v10 =	vadd.f32 v10, v42;
	v27 =	vadd.f32 v27, v42;
	v59 =	vmul.f32 s20, v6;
	s18 =	ssub.f32 s9, s22;
	[tilespmem:s30+$0xFFFFFD90] =	vst v8;
	v8 =	vld [tilespmem:$0x1FFE0];
	s15 =	smul.f32 s10, s15  }
0x112: {  	v26 =	vmul.f32 v62, v26;
	v62 =	vld [tilespmem:$0x1FF80];
	v32 =	vmul.f32 v55, v32;
	v55 =	vmov s11;
	s11 =	smul.f32 s5, s7  }
0x113: {  	v56 =	vsub.f32 v60, v58;
	v60 =	vmul.f32 s12, v4;
	v31 =	vadd.f32 v31, v63;
	s5 =	smul.f32 s4, s19;
	s7 =	sadd.f32 $9.999999740e-06, s18  }
0x114: {  	v61, _, _ =	vpop (xrf2);
	v63 =	vsub.f32 v33, v55;
	s22 =	smul.f32 s11, s21;
	v45 =	vsub.f32 v3, v45;
	v3 =	vmul.f32 s20, v7;
	s20 =	ssub.f32 $1.500000000e+00, s15  }
0x115: {  	[tilespmem:s30+$0xFFFFFD30] =	vst v10;
	v2 =	vadd.f32 v2, v42;
	(v2sf) =	vpush v61, $0xF;
	s19 =	smul.f32 $5.000000000e-01, s7  }
0x116: {  	[tilespmem:s30+$0xFFFFFDB0] =	vst v1;
	v8 =	vadd.f32 v22, v8;
	v1 =	vsub.f32 v21, v55;
	v10 =	vmul.f32 v60, v63;
	v60 =	vld [tilespmem:$0x1FFF0];
	s15 =	smul.f32 s10, s20;
	s10 =	sshra.s32 s7, $0x1  }
0x117: {  	v21 =	vmov s13;
	v45 =	vmul.f32 v57, v45;
	v57 =	vsub.f32 v62, v58;
	v62 =	vld [tilespmem:$0x1FFF0];
	s7 =	smul.f32 s22, s11;
	s4 =	ssub.s32 $0x5F3759DF, s10  }
0x118: {  	[tilespmem:s30+$0xFFFFFE10] =	vst v29;
	v29 =	vmul.f32 s14, v7;
	v33 =	vmul.f32 s12, v6;
	v61 =	vsub.f32 v40, v21;
	v58 =	vld [tilespmem:$0x1FFA0];
	s16 =	smul.f32 s4, s19  }
0x119: {  	[tilespmem:s30+$0xFFFFFD20] =	vst v11;
	v40 =	vmov s1;
	v63 =	vmul.f32 s12, v5;
	v11 =	vmul.f32 v59, v57;
	s10 =	smul.f32 s15, s17;
	v59 =	vld [tilespmem:$0x1FFB0]  }
0x11a: {  	[tilespmem:s30+$0xFFFFFF10] =	vst v8;
	v8 =	vsub.f32 v37, v40;
	v3 =	vmul.f32 v3, v56;
	v56 =	vmul.f32 s14, v4;
	s17 =	spop (v2sf);
	s7 =	ssub.f32 $1.500000000e+00, s7  }
0x11b: {  	[tilespmem:s30+$0xFFFFFEB0] =	vst v2;
	v1 =	vmul.f32 v33, v1;
	v45 =	vadd.f32 v45, v42;
	v32 =	vadd.f32 v32, v60;
	s9 =	smul.f32 $1.562500000e-02, s17;
	v60 =	vld [tilespmem:$0x1FFF0]  }
0x11c: {  	v2 =	vld [tilespmem:$0x1FFE0];
	[tilespmem:s30+$0xFFFFFDA0] =	vst v25;
	v3 =	vadd.f32 v3, v42;
	v22 =	vmul.f32 v56, v61;
	v61 =	vmul.f32 s5, v4;
	s17 =	smul.f32 s7, s11  }
0x11d: {  	[tilespmem:s30+$0xFFFFFE00] =	vst v28;
	v57 =	vmul.f32 s14, v6;
	s20 =	spop (v2sf);
	s18 =	smul.f32 s4, s16;
	v54 =	vadd.f32 v54, v62;
	v62 =	vld [tilespmem:$0x1FFD0];
	v25 =	vsub.f32 v58, v55  }
0x11e: {  	[tilespmem:s30+$0xFFFFFE20] =	vst v0;
	s10 =	smul.f32 s10, s15;
	s13 =	spop (v2sf);
	v8 =	vmul.f32 v61, v8;
	v56 =	vmul.f32 s17, v5;
	v28 =	vsub.f32 v59, v55  }
0x11f: {  	s22 =	smul.f32 s9, s9;
	v58 =	vld [tilespmem:$0x1FFF0];
	s21 =	ssub.f32 $1.500000000e+00, s18;
	v0 =	vmul.f32 v63, v25;
	v63 =	vsub.f32 v20, v21;
	[tilespmem:s30+$0xFFFFFEA0] =	vst v54;
	v54 =	vmov s3  }
0x120: {  	[tilespmem:s30+$0xFFFFFE90] =	vst v31;
	s1 =	smul.f32 $1.562500000e-02, s13;
	s18 =	ssub.f32 $1.500000000e+00, s10;
	v55 =	vmul.f32 s14, v5;
	v1 =	vadd.f32 v1, v60;
	v18 =	vsub.f32 v18, v54  }
0x121: {  	[tilespmem:s30+$0xFFFFFF30] =	vst v45;
	v45 =	vld [tilespmem:$0x1FFD0];
	s14 =	smul.f32 $1.562500000e-02, s20;
	v31 =	vsub.f32 v47, v54;
	v0 =	vadd.f32 v0, v2;
	v2 =	vmul.f32 v57, v63  }
0x122: {  	[tilespmem:s30+$0xFFFFFD80] =	vst v9;
	v59 =	vld [tilespmem:$0x1FFD0];
	s7 =	smul.f32 s18, s15;
	v63 =	vmul.f32 s5, v6;
	v57 =	vmul.f32 s17, v6;
	v9 =	vadd.f32 v46, v62  }
0x123: {  	s18 =	smul.f32 s1, s1;
	s16 =	ssub.f32 s14, s22;
	v46 =	vmul.f32 s12, v7;
	v62 =	vsub.f32 v41, v21;
	v21 =	vsub.f32 v43, v21;
	v41 =	vld [tilespmem:$0x1FFD0]  }
0x124: {  	v61 =	vld [tilespmem:$0x1FFD0];
	s15 =	spop (v2sf);
	s12 =	smul.f32 s4, s21;
	v11 =	vadd.f32 v11, v58;
	v58 =	vsub.f32 v34, v40;
	v34 =	vmul.f32 s7, v4  }
0x125: {  	[tilespmem:s30+$0xFFFFFE30] =	vst v27;
	v47 =	vsub.f32 v44, v54;
	s4 =	smul.f32 $1.562500000e-02, s15;
	v20 =	vmul.f32 s7, v6;
	s21 =	sadd.f32 $9.999999740e-06, s16;
	v28 =	vmul.f32 v46, v28  }
0x126: {  	[tilespmem:s30+$0xFFFFFE80] =	vst v36;
	v60 =	vld [tilespmem:$0x1FFC0];
	v8 =	vadd.f32 v8, v45;
	v25 =	vmul.f32 v55, v62;
	v21 =	vmul.f32 v29, v21;
	s20 =	smul.f32 s12, s19  }
0x127: {  	[tilespmem:s30+$0xFFFFFFB0] =	vst v3;
	v43 =	vld [tilespmem:$0x1FFE0];
	v10 =	vadd.f32 v10, v59;
	v62 =	vmul.f32 s5, v5;
	v46 =	vmul.f32 s5, v7;
	s14 =	smul.f32 $5.000000000e-01, s21;
	s16 =	sshra.s32 s21, $0x1  }
0x128: {  	[tilespmem:s30+$0xFFFFFF20] =	vst v32;
	v55 =	vmul.f32 s17, v4;
	s4 =	ssub.f32 s4, s18;
	s22 =	smul.f32 s20, s12;
	v26 =	vadd.f32 v26, v41;
	v41 =	vmul.f32 s17, v7;
	s17 =	ssub.s32 $0x5F3759DF, s16  }
0x129: {  	[tilespmem:s30+$0xFFFFFF00] =	vst v9;
	v59 =	vsub.f32 v35, v40;
	v35 =	vmul.f32 s7, v5;
	v9 =	vadd.f32 v22, v61;
	s19 =	smul.f32 s17, s14  }
0x12a: {  	[tilespmem:s30+$0x20] =	vst v1;
	v29 =	vsub.f32 v19, v54;
	v19 =	vmul.f32 v57, v31;
	v3 =	vmul.f32 v62, v58;
	v62 =	vld [tilespmem:$0x1FFE0];
	s4 =	sadd.f32 $9.999999740e-06, s4  }
0x12b: {  	[tilespmem:s30+$0xFFFFFFA0] =	vst v11;
	v11 =	vsub.f32 v60, v40;
	v40 =	vmul.f32 s7, v7;
	v28 =	vadd.f32 v28, v42;
	s5 =	ssub.f32 $1.500000000e+00, s22;
	s7 =	smul.f32 s17, s19  }
0x12c: {  	[tilespmem:s30+$0x0] =	vst v10;
	v10 =	vmul.f32 v63, v59;
	v1 =	vmul.f32 v55, v18;
	v12 =	vadd.f32 v12, v43;
	s20 =	sshra.s32 s4, $0x1;
	s4 =	smul.f32 $5.000000000e-01, s4  }
0x12d: {  	[tilespmem:s30+$0x10] =	vst v0;
	v0 =	vmul.f32 v46, v11;
	v43 =	vadd.f32 v21, v42;
	v46 =	vmov s0;
	s0 =	ssub.s32 $0x5F3759DF, s20;
	s5 =	smul.f32 s5, s12;
	s7 =	ssub.f32 $1.500000000e+00, s7  }
0x12e: {  	v32 =	vld [tilespmem:$0x1FFE0];
	v11 =	vmul.f32 v56, v29;
	v29 =	vsub.f32 v53, v46;
	[tilespmem:s30+$0xFFFFFF90] =	vst v12;
	v12 =	vmov s2;
	s21 =	smul.f32 s0, s4  }
0x12f: {  	[tilespmem:s30+$0x100] =	vst v8;
	v22 =	vadd.f32 v25, v62;
	v62 =	vld [tilespmem:$0x1FFE0];
	v54 =	vmul.f32 s5, v4;
	v55 =	vmul.f32 s5, v5;
	s2 =	smul.f32 s17, s7  }
0x130: {  	v63 =	vld [tilespmem:$0x1FFF0];
	[tilespmem:s30+$0x80] =	vst v9;
	v33 =	vsub.f32 v52, v46;
	v57 =	vmul.f32 s5, v6;
	v58 =	vmul.f32 s5, v7;
	s5 =	smul.f32 s0, s21  }
0x131: {  	v37 =	vld [tilespmem:$0x1FFE0];
	[tilespmem:s30+$0x30] =	vst v28;
	v36 =	vsub.f32 v39, v46;
	v0 =	vadd.f32 v0, v42;
	s3 =	smul.f32 s2, s14  }
0x132: {  	v56 =	vsub.f32 v51, v12;
	v59 =	vsub.f32 v48, v12;
	[tilespmem:s30+$0x90] =	vst v22;
	v22 =	vld [tilespmem:$0x1FFD0];
	s5 =	ssub.f32 $1.500000000e+00, s5  }
0x133: {  	v44 =	vld [tilespmem:$0x1FFF0];
	[tilespmem:s30+$0xFFFFFF80] =	vst v26;
	v60 =	vsub.f32 v50, v12;
	v12 =	vsub.f32 v49, v12;
	s3 =	smul.f32 s3, s2  }
0x134: {  	v39 =	vsub.f32 v38, v46;
	[tilespmem:s30+$0xB0] =	vst v43;
	v8 =	vmul.f32 v35, v59;
	v3 =	vadd.f32 v3, v62;
	s0 =	smul.f32 s0, s5  }
0x135: {  	v46 =	vld [tilespmem:$0x1FFD0];
	v11 =	vadd.f32 v11, v32;
	v2 =	vadd.f32 v2, v63;
	[tilespmem:s30+$0x130] =	vst v0;
	v31 =	vmul.f32 v40, v12;
	s3 =	ssub.f32 $1.500000000e+00, s3  }
0x136: {  	v63 =	vld [tilespmem:$0x1FFF0];
	v40 =	vmov s9;
	v8 =	vadd.f32 v8, v37;
	[tilespmem:s30+$0x110] =	vst v3;
	v3 =	vmul.f32 v20, v60;
	s22 =	smul.f32 s0, s4  }
0x137: {  	[tilespmem:s30+$0xA0] =	vst v2;
	v2 =	vmul.f32 v41, v47;
	v13 =	vsub.f32 v13, v40;
	v47 =	vld [tilespmem:$0x1FFE0];
	v1 =	vadd.f32 v1, v22;
	s2 =	smul.f32 s3, s2  }
0x138: {  	v61 =	vmul.f32 v34, v56;
	v48 =	vsub.f32 v14, v40;
	[tilespmem:s30+$0x210] =	vst v8;
	v8 =	vld [tilespmem:$0x1FFF0];
	v3 =	vadd.f32 v3, v44;
	s3 =	smul.f32 s22, s0  }
0x139: {  	v35 =	vld [tilespmem:$0x1FFD0];
	v51 =	vsub.f32 v16, v40;
	v0 =	vmul.f32 v54, v29;
	v2 =	vadd.f32 v2, v42;
	[tilespmem:s30+$0x180] =	vst v1  }
0x13a: {  	v41 =	vmul.f32 v57, v36;
	v54 =	vmov s1;
	v1 =	vmul.f32 v55, v33;
	[tilespmem:s30+$0x220] =	vst v3;
	v3 =	vld [tilespmem:$0x1FFD0];
	s3 =	ssub.f32 $1.500000000e+00, s3  }
0x13b: {  	v59 =	vld [tilespmem:$0x1FFF0];
	v0 =	vadd.f32 v0, v46;
	[tilespmem:s30+$0x1B0] =	vst v2;
	v2 =	vmul.f32 v58, v39;
	v43 =	vmul.f32 s2, v4  }
0x13c: {  	[tilespmem:s30+$0x190] =	vst v11;
	v9 =	vadd.f32 v10, v63;
	v1 =	vadd.f32 v1, v47;
	v52 =	vmul.f32 s2, v6;
	s0 =	smul.f32 s3, s0  }
0x13d: {  	[tilespmem:s30+$0x280] =	vst v0;
	v60 =	vld [tilespmem:$0x1FFD0];
	v2 =	vadd.f32 v2, v42;
	v8 =	vadd.f32 v41, v8;
	v45 =	vmul.f32 v43, v13  }
0x13e: {  	v34 =	vld [tilespmem:$0x1FFF0];
	v55 =	vsub.f32 v23, v54;
	[tilespmem:s30+$0x290] =	vst v1;
	v1 =	vmul.f32 v52, v51;
	v56 =	vmul.f32 s0, v4  }
0x13f: {  	[tilespmem:s30+$0x2A0] =	vst v8;
	v8 =	vsub.f32 v17, v54;
	v3 =	vadd.f32 v45, v3;
	v57 =	vmul.f32 s0, v5  }
0x140: {  	v12 =	vadd.f32 v61, v35;
	[tilespmem:s30+$0x2B0] =	vst v2;
	v1 =	vadd.f32 v1, v59;
	v2 =	vmul.f32 v56, v55  }
0x141: {  	v61 =	vmul.f32 s0, v6;
	[tilespmem:s30+$0x300] =	vst v3;
	v3 =	vmul.f32 v57, v8;
	v8 =	vsub.f32 v15, v54  }
0x142: {  	v58 =	vld [tilespmem:$0x1FFE0];
	v0 =	vsub.f32 v30, v40;
	v53 =	vmul.f32 s2, v7;
	[tilespmem:s30+$0x320] =	vst v1;
	v1 =	vadd.f32 v2, v60  }
0x143: {  	v10 =	vadd.f32 v19, v34;
	[tilespmem:s30+$0x120] =	vst v9;
	v49 =	vmul.f32 s2, v5;
	v2 =	vmul.f32 v61, v8;
	v8 =	vld [tilespmem:$0x1FFE0]  }
0x144: {  	v0 =	vmul.f32 v53, v0;
	[tilespmem:s30+$0x380] =	vst v1;
	v1 =	vld [tilespmem:$0x1FFF0]  }
0x145: {  	v9 =	vadd.f32 v31, v42;
	[tilespmem:s30+$0x1A0] =	vst v10;
	v50 =	vmul.f32 v49, v48  }
0x146: {  	s29 =	sadd.s32 $0x10, s29;
	v62 =	vsub.f32 v24, v54;
	[tilespmem:s30+$0x200] =	vst v12;
	v0 =	vadd.f32 v0, v42;
	v63 =	vmul.f32 s0, v7  }
0x147: {  	p0 =	slt.u32 s29, $0x70;
	[tilespmem:s30+$0x230] =	vst v9;
	v9 =	vadd.f32 v50, v58  }
.Ltmp0:
0x148: {  	[tilespmem:s30+$0x330] =	vst v0;
	v0 =	vadd.f32 v3, v8;
	v3 =	vmul.f32 v63, v62;
	(pc) =	sbr.rel @p0 .LBB2_3-.Ltmp0, $4  }
0x149: {  	[tilespmem:s30+$0x310] =	vst v9;
	v1 =	vadd.f32 v2, v1  }
0x14a: {  	[tilespmem:s30+$0x390] =	vst v0;
	v0 =	vadd.f32 v3, v42  }
0x14b: {  	[tilespmem:s30+$0x3A0] =	vst v1  }
0x14c: {  	s31 =	sadd.s32 $0x800, s31;
	v2 =	vmov v42;
	v3 =	vld [tilespmem:$0x1FFF0];
	[tilespmem:s30+$0x3B0] =	vst v0;
	s30 =	sadd.s32 $0x800, s30  }
0x14d: {  	s0 =	rddreg [dreg:$0x8]  }
0x14e: {  	s0 =	sadd.s32 s0, s28  }
0x14f: {  	s1 =	rddreg [dreg:$0x7];
	s0 =	sshll.u32 s0, $0x4  }
0x150: {  	s30 =	simm.s32 $0x8000;
	p0 =	seq.s32 s25, $0x18;
	s0 =	sadd.s32 s1, s0  }
0x151: {  	[hbm4b:s0+s6] =	stream.linear.scatter [tilespmem:s30], [sflag:$0x4], $0x4000, $0x38;
	[tilespmem:$0x13280] =	vst v63  }
0x152: {  	s0 =	simm.s32 @!p0 $0x4  }
0x153: {  	_ =	swait.ge @!p0 [sflag:s0], $0x4000  }
0x154: {  	s1 =	sshll.u32 @!p0 s25, $0xF;
	s2 =	rddreg [dreg:$0xa]  }
0x155: {  	s1 =	sadd.s32 @!p0 s1, s2  }
0x156: {  	s31 =	simm.s32 $0x3;
	[sflag:s0] =	ssyncset.done @!p0 $0x0;
	s1 =	sshrl.u32 @!p0 s1, $0x3  }
0x157: {  	[sflag:s0] =	ssyncadd.s32 @!p0 $0xFFFFC000;
	s0 =	sadd.s32 @!p0 s8, s1;
	s1 =	simm.s32 @!p0 $0x0  }
0x158: {  	[tilespmem:s1], [sflag:$0x2] =	stream.linear.gather @!p0 [hbm4b:s0+s1], $0x4000, $0x38;
	[tilespmem:$0x13280] =	vst v63  }
0x159: {  	_ =	swait.ge [sflag:s31], $0x4000  }
0x15a: {  	s26 =	sshll.u32 s26, $0x7;
	[sflag:s31] =	ssyncset.done $0x0  }
0x15b: {  	s29 =	simm.s32 $0x0;
	s28 =	simm.s32 $0xFFFFFFF0;
	[sflag:s31] =	ssyncadd.s32 $0xFFFFC000  }
.LBB2_5:
0x15c: {  	s0 =	rddreg [dreg:$0x5]  }
0x15d: {  	s31 =	sadd.s32 s28, s0  }
0x15e: {  	s30 =	sshra.s32 s29, $0x2;
	s0 =	sadd.s32 $0x90, s31  }
0x15f: {  	v0 =	vld [tilespmem:s30+$0x4000];
	s1 =	sshll.u32 s0, $0x8  }
0x160: {  	v2 =	vld [tilespmem:s30+$0x4010];
	p0 =	slt.u32 s0, $0xC8;
	s0 =	sadd.s32 $0xFFFF3800, s1  }
0x161: {  	v8 =	vld [tilespmem:s30+$0x4020];
	s0 =	smov.u32 @p0 s1  }
0x162: {  	v11 =	vld [tilespmem:s30+$0x4030];
	s0 =	sshra.s32 s0, $0x2  }
0x163: {  	v1 =	vld [tilespmem:s0+$0x10000]  }
0x164: {  	v3 =	vld [tilespmem:s0+$0x10010]  }
0x165: {  	s7 =	sadd.s32 $0x91, s31;
	v9 =	vld [tilespmem:s0+$0x10020]  }
0x166: {  	v12 =	vld [tilespmem:s0+$0x10030];
	s0 =	sshll.u32 s7, $0x6  }
0x167: {  	v13 =	vld [tilespmem:s30+$0x4080];
	p0 =	slt.u32 s7, $0xC8;
	s1 =	sadd.s32 $0xFFFFCE00, s0  }
0x168: {  	v17 =	vld [tilespmem:s30+$0x40B0];
	s1 =	smov.u32 @p0 s0  }
0x169: {  	v14 =	vld [tilespmem:s1+$0x10000];
	s0 =	sand.u32 $0x3E00, s1  }
0x16a: {  	v23 =	vld [tilespmem:s0+$0x10060]  }
0x16b: {  	v24 =	vld [tilespmem:s0+$0x10070]  }
0x16c: {  	v10 =	vadd.f32 v1, v0;
	v50 =	vadd.f32 v3, v2;
	v0 =	vld [tilespmem:s30+$0x4090]  }
0x16d: {  	v49 =	vadd.f32 v9, v8;
	v44 =	vadd.f32 v12, v11;
	v1 =	vld [tilespmem:s0+$0x10050]  }
0x16e: {  	v8 =	vld [tilespmem:s30+$0x40A0];
	v2 =	vmul.f32 v10, v10;
	v3 =	vmul.f32 v50, v50  }
0x16f: {  	v9 =	vmul.f32 v49, v49;
	v11 =	vmul.f32 v44, v44;
	v15 =	vadd.f32 v50, v10  }
0x170: {  	v16 =	vadd.f32 v44, v49;
	v47 =	vadd.f32 v14, v13  }
0x171: {  	v2 =	vadd.f32 v3, v2;
	v3 =	vadd.f32 v11, v9  }
0x172: {  	v25 =	vadd.f32 v16, v15;
	v9 =	vadd.f32 v24, v17  }
0x173: {  	s9 =	sadd.s32 $0x92, s31;
	v48 =	vadd.f32 v1, v0;
	v8 =	vadd.f32 v23, v8  }
0x174: {  	s1 =	sshll.u32 s9, $0x8;
	v0 =	vmul.f32 v47, v47;
	v2 =	vadd.f32 v3, v2;
	v26 =	vmul.f32 v9, v9  }
0x175: {  	v29 =	vld [tilespmem:s30+$0x4110];
	p0 =	slt.u32 s9, $0xC8;
	s0 =	sadd.s32 $0xFFFF3800, s1;
	(xrf2) =	vadd.scan.msk.f32 $0xffff, v25;
	v1 =	vmul.f32 v48, v48;
	v3 =	vmul.f32 v8, v8  }
0x176: {  	v31 =	vld [tilespmem:s30+$0x4120];
	s0 =	smov.u32 @p0 s1;
	v13 =	vadd.f32 v48, v47;
	v28 =	vadd.f32 v9, v8;
	(xrf2) =	vadd.scan.msk.f32 $0xffff, v2  }
0x177: {  	v32 =	vld [tilespmem:s30+$0x4130];
	s0 =	sshra.s32 s0, $0x2;
	v0 =	vadd.f32 v1, v0;
	v1 =	vadd.f32 v26, v3  }
0x178: {  	v27 =	vld [tilespmem:s0+$0x10000];
	v30 =	vadd.f32 v28, v13  }
0x179: {  	v2 =	vld [tilespmem:s30+$0x4100];
	v0 =	vadd.f32 v1, v0  }
0x17a: {  	v3 =	vld [tilespmem:s0+$0x10010];
	(xrf2) =	vadd.scan.msk.f32 $0xffff, v30  }
0x17b: {  	v1 =	vld [tilespmem:s0+$0x10020];
	(xrf2) =	vadd.scan.msk.f32 $0xffff, v0  }
0x17c: {  	s10 =	sadd.s32 $0x93, s31;
	v0 =	vld [tilespmem:s0+$0x10030]  }
0x17d: {  	v35 =	vld [tilespmem:s30+$0x4180];
	s1 =	sshll.u32 s10, $0x6  }
0x17e: {  	v43 =	vld [tilespmem:s30+$0x41A0];
	p0 =	slt.u32 s10, $0xC8;
	s0 =	sadd.s32 $0xFFFFCE00, s1  }
0x17f: {  	v52 =	vld [tilespmem:s30+$0x41B0];
	v39 =	vadd.f32 v27, v2;
	s0 =	smov.u32 @p0 s1;
	v38 =	vadd.f32 v3, v29;
	v33, _, _ =	vpop (xrf2)  }
0x180: {  	v2 =	vld [tilespmem:s0+$0x10000];
	s0 =	sand.u32 $0x3E80, s0;
	v36 =	vadd.f32 v1, v31;
	(v2sf) =	vpush v33, $0xF;
	v34, _, _ =	vpop (xrf2)  }
0x181: {  	v37 =	vld [tilespmem:s0+$0x10050];
	v30 =	vadd.f32 v0, v32;
	(v2sf) =	vpush v34, $0xF  }
0x182: {  	v1 =	vmul.f32 v39, v39;
	v3 =	vmul.f32 v38, v38;
	v18 =	vld [tilespmem:s0+$0x10060]  }
0x183: {  	v46 =	vadd.f32 v38, v39;
	v54 =	vld [tilespmem:s0+$0x10070];
	v40 =	vmul.f32 v36, v36;
	v41 =	vmul.f32 v30, v30  }
0x184: {  	v0 =	vld [tilespmem:s30+$0x4190];
	v1 =	vadd.f32 v3, v1;
	v51 =	vadd.f32 v30, v36;
	v19, _, _ =	vpop (xrf2)  }
0x185: {  	v3 =	vadd.f32 v41, v40;
	(v2sf) =	vpush v19, $0xF;
	v53, _, _ =	vpop (xrf2)  }
0x186: {  	s11 =	sadd.s32 $0x94, s31;
	v16 =	vadd.f32 v51, v46;
	(v2sf) =	vpush v53, $0xF  }
0x187: {  	s1 =	sshll.u32 s11, $0x8;
	v1 =	vadd.f32 v3, v1  }
0x188: {  	v55 =	vld [tilespmem:s30+$0x4210];
	p0 =	slt.u32 s11, $0xC8;
	s0 =	sadd.s32 $0xFFFF3800, s1;
	v22 =	vadd.f32 v2, v35;
	v15 =	vadd.f32 v18, v43;
	(xrf2) =	vadd.scan.msk.f32 $0xffff, v16  }
0x189: {  	v60 =	vld [tilespmem:s30+$0x4220];
	s0 =	smov.u32 @p0 s1;
	v17 =	vadd.f32 v54, v52;
	v46 =	vadd.f32 v37, v0;
	(xrf2) =	vadd.scan.msk.f32 $0xffff, v1  }
0x18a: {  	v63 =	vld [tilespmem:s30+$0x4230];
	s1 =	sshra.s32 s0, $0x2;
	v2 =	vmul.f32 v22, v22;
	v56 =	vmul.f32 v15, v15  }
0x18b: {  	v58 =	vld [tilespmem:s1+$0x10010];
	v57 =	vmul.f32 v17, v17;
	v3 =	vmul.f32 v46, v46  }
0x18c: {  	v61 =	vld [tilespmem:s1+$0x10020]  }
0x18d: {  	v0 =	vld [tilespmem:s30+$0x4200];
	v2 =	vadd.f32 v3, v2;
	v3 =	vadd.f32 v57, v56  }
0x18e: {  	[tilespmem:$0x1FDB0] =	vst v17;
	v17 =	vadd.f32 v17, v15;
	v1 =	vld [tilespmem:s1+$0x10000]  }
0x18f: {  	v59 =	vadd.f32 v46, v22;
	v2 =	vadd.f32 v3, v2;
	v3 =	vld [tilespmem:s1+$0x10030];
	s12 =	spop (v2sf)  }
0x190: {  	s0 =	smul.f32 $1.562500000e-02, s12;
	s2 =	spop (v2sf)  }
0x191: {  	v62 =	vadd.f32 v17, v59;
	s2 =	smul.f32 $1.562500000e-02, s2  }
0x192: {  	v24 =	vadd.f32 v58, v55;
	v23 =	vadd.f32 v61, v60;
	v29, _, _ =	vpop (xrf2);
	s3 =	smul.f32 s0, s0  }
0x193: {  	s13 =	sadd.s32 $0x95, s31;
	v27 =	vadd.f32 v1, v0;
	(xrf2) =	vadd.scan.msk.f32 $0xffff, v62;
	(v2sf) =	vpush v29, $0xF;
	v31, _, _ =	vpop (xrf2)  }
0x194: {  	p0 =	slt.u32 s13, $0xC8;
	v35 =	vld [tilespmem:s30+$0x42A0];
	v17 =	vadd.f32 v3, v63;
	(xrf2) =	vadd.scan.msk.f32 $0xffff, v2;
	s2 =	ssub.f32 s2, s3;
	(v2sf) =	vpush v31, $0xF;
	s4 =	spop (v2sf)  }
0x195: {  	v43 =	vld [tilespmem:s30+$0x42B0];
	s3 =	sshll.u32 s13, $0x6;
	s11 =	smul.f32 $1.562500000e-02, s4;
	s15 =	spop (v2sf)  }
0x196: {  	v1 =	vld [tilespmem:s30+$0x4290];
	v37 =	vadd.f32 v24, v27;
	v40 =	vadd.f32 v17, v23;
	s1 =	sadd.s32 $0xFFFFCE00, s3;
	s2 =	sadd.f32 $9.999999740e-06, s2;
	s4 =	smul.f32 $1.562500000e-02, s15  }
0x197: {  	v11 =	vmul.f32 v24, v24;
	v33 =	vmul.f32 v23, v23;
	v2 =	vld [tilespmem:s30+$0x4280];
	s1 =	smov.u32 @p0 s3;
	s5 =	smul.f32 s11, s11  }
0x198: {  	v3 =	vmul.f32 v27, v27;
	v34 =	vmul.f32 v17, v17;
	v45 =	vadd.f32 v40, v37;
	v0 =	vld [tilespmem:s1+$0x10000];
	s1 =	sand.u32 $0x3F00, s1;
	s14 =	smul.f32 $5.000000000e-01, s2;
	s2 =	sshra.s32 s2, $0x1  }
0x199: {  	v32 =	vld [tilespmem:s1+$0x10050];
	s2 =	ssub.s32 $0x5F3759DF, s2;
	s4 =	ssub.f32 s4, s5  }
0x19a: {  	v3 =	vadd.f32 v11, v3;
	v41 =	vadd.f32 v34, v33;
	(xrf2) =	vadd.scan.msk.f32 $0xffff, v45;
	v20 =	vld [tilespmem:s1+$0x10060];
	s7 =	smul.f32 s2, s14  }
0x19b: {  	v51 =	vld [tilespmem:s1+$0x10070];
	s4 =	sadd.f32 $9.999999740e-06, s4  }
0x19c: {  	v3 =	vadd.f32 v41, v3;
	s16 =	smul.f32 s2, s7  }
0x19d: {  	v54, _, _ =	vpop (xrf2);
	s9 =	sshra.s32 s4, $0x1;
	s4 =	smul.f32 $5.000000000e-01, s4  }
0x19e: {  	s17 =	sadd.s32 $0x96, s31;
	(xrf2) =	vadd.scan.msk.f32 $0xffff, v3;
	(v2sf) =	vpush v54, $0xF;
	v25 =	vadd.f32 v0, v2;
	v55, _, _ =	vpop (xrf2);
	s5 =	ssub.f32 $1.500000000e+00, s16;
	s18 =	ssub.s32 $0x5F3759DF, s9  }
0x19f: {  	s7 =	sshll.u32 s17, $0x8;
	v54 =	vadd.f32 v20, v35;
	(v2sf) =	vpush v55, $0xF;
	s19 =	smul.f32 s18, s4  }
0x1a0: {  	v21 =	vld [tilespmem:s30+$0x4330];
	p0 =	slt.u32 s17, $0xC8;
	s1 =	sadd.s32 $0xFFFF3800, s7;
	v18 =	vadd.f32 v51, v43;
	v55 =	vadd.f32 v32, v1;
	s2 =	smul.f32 s2, s5  }
0x1a1: {  	v61 =	vld [tilespmem:s30+$0x4320];
	s1 =	smov.u32 @p0 s7;
	v2 =	vmul.f32 v25, v25;
	v57 =	vmul.f32 v54, v54;
	s7 =	smul.f32 s18, s19  }
0x1a2: {  	v56 =	vld [tilespmem:s30+$0x4310];
	v13 =	vmul.f32 v18, v18;
	v3 =	vmul.f32 v55, v55;
	s20 =	spop (v2sf);
	s3 =	smul.f32 s2, s14  }
0x1a3: {  	v0 =	vld [tilespmem:s30+$0x4300];
	s1 =	sshra.s32 s1, $0x2;
	v60 =	vadd.f32 v18, v54;
	v59 =	vadd.f32 v55, v25;
	s12 =	smul.f32 $1.562500000e-02, s20;
	s21 =	spop (v2sf)  }
0x1a4: {  	v1 =	vld [tilespmem:s1+$0x10000];
	v26, _, _ =	vpop (xrf2);
	v2 =	vadd.f32 v3, v2;
	v3 =	vadd.f32 v13, v57;
	s9 =	smul.f32 $1.562500000e-02, s21  }
0x1a5: {  	v58 =	vld [tilespmem:s1+$0x10010];
	v63 =	vadd.f32 v60, v59;
	(v2sf) =	vpush v26, $0xF;
	s10 =	smul.f32 s12, s12  }
0x1a6: {  	s22 =	sadd.s32 $0x97, s31;
	s7 =	ssub.f32 $1.500000000e+00, s7;
	v2 =	vadd.f32 v3, v2;
	v3 =	vld [tilespmem:s1+$0x10030]  }
0x1a7: {  	v62 =	vld [tilespmem:s1+$0x10020];
	s13 =	smul.f32 s3, s2;
	(xrf2) =	vadd.scan.msk.f32 $0xffff, v63;
	s9 =	ssub.f32 s9, s10;
	s10 =	sshll.u32 s22, $0x6  }
0x1a8: {  	v40 =	vld [tilespmem:s30+$0x43B0];
	p0 =	slt.u32 s22, $0xC8;
	s3 =	smul.f32 s18, s7;
	v28, _, _ =	vpop (xrf2);
	(xrf2) =	vadd.scan.msk.f32 $0xffff, v2;
	s5 =	sadd.s32 $0xFFFFCE00, s10  }
0x1a9: {  	(v2sf) =	vpush v28, $0xF;
	v2 =	vld [tilespmem:s30+$0x4380];
	s14 =	sadd.f32 $9.999999740e-06, s9;
	s5 =	smov.u32 @p0 s10  }
0x1aa: {  	v29 =	vadd.f32 v1, v0;
	s4 =	smul.f32 s3, s4;
	v1 =	vld [tilespmem:s5+$0x10000]  }
0x1ab: {  	v31 =	vadd.f32 v58, v56;
	v0 =	vadd.f32 v3, v21;
	v3 =	vld [tilespmem:s30+$0x4390];
	s15 =	sshra.s32 s14, $0x1;
	s9 =	smul.f32 $5.000000000e-01, s14  }
0x1ac: {  	v32 =	vadd.f32 v62, v61;
	s16 =	sor.u32 $0x50, s5;
	s4 =	smul.f32 s4, s3;
	v21 =	vld [tilespmem:s30+$0x43A0];
	s7 =	ssub.s32 $0x5F3759DF, s15  }
0x1ad: {  	v11 =	vadd.f32 v31, v29;
	v35 =	vmul.f32 v29, v29;
	v37 =	vmul.f32 v31, v31;
	v33 =	vld [tilespmem:s16+$0x10000];
	s14 =	sor.u32 $0x60, s5;
	s18 =	spop (v2sf);
	s17 =	smul.f32 s7, s9  }
0x1ae: {  	[tilespmem:$0x1FE00] =	vst v29;
	v20 =	vmul.f32 v32, v32;
	s5 =	sor.u32 $0x70, s5;
	v34 =	vadd.f32 v0, v32;
	v26 =	vmul.f32 v0, v0;
	v29 =	vld [tilespmem:s14+$0x10000];
	s1 =	smul.f32 $1.562500000e-02, s18;
	s15 =	spop (v2sf)  }
0x1af: {  	[tilespmem:$0x1FE10] =	vst v31;
	v16 =	vadd.f32 v37, v35;
	v31 =	vld [tilespmem:s5+$0x10000];
	s15 =	smul.f32 $1.562500000e-02, s15  }
0x1b0: {  	s19 =	sadd.s32 $0x98, s31;
	s13 =	ssub.f32 $1.500000000e+00, s13;
	v11 =	vadd.f32 v34, v11;
	v41 =	vadd.f32 v26, v20;
	s20 =	smul.f32 s1, s1  }
0x1b1: {  	s16 =	sshll.u32 s19, $0x8;
	s4 =	ssub.f32 $1.500000000e+00, s4;
	v43, _, _ =	vpop (xrf2);
	s10 =	smul.f32 s7, s17;
	v26 =	vadd.f32 v1, v2  }
0x1b2: {  	v51 =	vld [tilespmem:s30+$0x4400];
	p0 =	slt.u32 s19, $0xC8;
	s5 =	sadd.s32 $0xFFFF3800, s16;
	(xrf2) =	vadd.scan.msk.f32 $0xffff, v11;
	(v2sf) =	vpush v43, $0xF;
	v16 =	vadd.f32 v41, v16;
	v45, _, _ =	vpop (xrf2);
	s21 =	ssub.f32 s15, s20  }
0x1b3: {  	v56 =	vld [tilespmem:s30+$0x4420];
	s5 =	smov.u32 @p0 s16;
	v20 =	vadd.f32 v33, v3;
	s15 =	smul.f32 s13, s2;
	s22 =	ssub.f32 $1.500000000e+00, s10;
	(v2sf) =	vpush v45, $0xF  }
0x1b4: {  	v35 =	vld [tilespmem:s30+$0x4430];
	[tilespmem:$0x1FE30] =	vst v0;
	s16 =	sshra.s32 s5, $0x2;
	s13 =	smul.f32 s4, s3;
	v53 =	vadd.f32 v29, v21;
	v0 =	vadd.f32 v31, v40;
	(xrf2) =	vadd.scan.msk.f32 $0xffff, v16;
	s17 =	spop (v2sf)  }
0x1b5: {  	v52 =	vld [tilespmem:s16+$0x10000];
	v57 =	vmul.f32 v26, v26;
	s10 =	sadd.f32 $9.999999740e-06, s21;
	s5 =	smul.f32 s7, s22  }
0x1b6: {  	v1 =	vld [tilespmem:s30+$0x4410];
	v3 =	vadd.f32 v20, v26;
	v58 =	vmul.f32 v20, v20;
	v21 =	vadd.f32 v0, v53;
	s3 =	smul.f32 $1.562500000e-02, s17  }
0x1b7: {  	v2 =	vld [tilespmem:s16+$0x10010];
	v33 =	vmul.f32 v53, v53;
	v34 =	vmul.f32 v0, v0;
	s14 =	smul.f32 $5.000000000e-01, s10  }
0x1b8: {  	v37 =	vld [tilespmem:s16+$0x10030];
	s4 =	sshra.s32 s10, $0x1;
	v3 =	vadd.f32 v21, v3;
	s19 =	smul.f32 s3, s3;
	s18 =	spop (v2sf)  }
0x1b9: {  	[tilespmem:$0x1FE20] =	vst v32;
	v32 =	vld [tilespmem:s16+$0x10020];
	v59 =	vadd.f32 v58, v57;
	v60 =	vadd.f32 v34, v33;
	s4 =	ssub.s32 $0x5F3759DF, s4;
	s2 =	smul.f32 $1.562500000e-02, s18  }
0x1ba: {  	s20 =	smul.f32 s4, s14;
	(xrf2) =	vadd.scan.msk.f32 $0xffff, v3  }
0x1bb: {  	v19 =	vld [tilespmem:s30+$0x4500];
	s9 =	smul.f32 s5, s9;
	v21 =	vadd.f32 v60, v59;
	s2 =	ssub.f32 s2, s19  }
0x1bc: {  	v13 =	vld [tilespmem:s30+$0x4490];
	s21 =	sadd.s32 $0x99, s31;
	v62 =	vadd.f32 v2, v1;
	v33 =	vadd.f32 v52, v51;
	s10 =	smul.f32 s4, s20;
	v61, _, _ =	vpop (xrf2)  }
0x1bd: {  	[tilespmem:$0x1FE50] =	vst v0;
	s7 =	sshll.u32 s21, $0x6;
	p0 =	slt.u32 s21, $0xC8;
	v0 =	vadd.f32 v37, v35;
	v2 =	vld [tilespmem:s30+$0x4480];
	(xrf2) =	vadd.scan.msk.f32 $0xffff, v21;
	(v2sf) =	vpush v61, $0xF;
	s2 =	sadd.f32 $9.999999740e-06, s2  }
0x1be: {  	s16 =	sadd.s32 $0xFFFFCE00, s7;
	[tilespmem:$0x1FE60] =	vst v62;
	v58 =	vmul.f32 v62, v62;
	s22 =	smul.f32 s9, s5;
	v3 =	vadd.f32 v62, v33;
	v62 =	vld [tilespmem:s30+$0x4520];
	v21 =	vadd.f32 v32, v56;
	s19 =	ssub.f32 $1.500000000e+00, s10;
	v1, _, _ =	vpop (xrf2)  }
0x1bf: {  	s16 =	smov.u32 @p0 s7;
	v56 =	vld [tilespmem:s30+$0x44A0];
	(v2sf) =	vpush v1, $0xF;
	s20 =	sshra.s32 s2, $0x1;
	s17 =	smul.f32 $5.000000000e-01, s2  }
0x1c0: {  	v63 =	vadd.f32 v0, v21;
	v1 =	vld [tilespmem:s16+$0x10000];
	s16 =	sand.u32 $0x3E00, s16;
	s9 =	smul.f32 s4, s19;
	s4 =	ssub.s32 $0x5F3759DF, s20  }
0x1c1: {  	s18 =	sadd.s32 $0x9A, s31;
	v14 =	vld [tilespmem:s16+$0x10050];
	s10 =	smul.f32 s4, s17;
	s21 =	spop (v2sf)  }
0x1c2: {  	v57 =	vmul.f32 v33, v33;
	v3 =	vadd.f32 v63, v3;
	v59 =	vld [tilespmem:s16+$0x10060];
	s20 =	sshll.u32 s18, $0x8;
	s2 =	smul.f32 $1.562500000e-02, s21;
	s19 =	spop (v2sf)  }
0x1c3: {  	v40 =	vmul.f32 v0, v0;
	p0 =	slt.u32 s18, $0xC8;
	v16 =	vmul.f32 v21, v21;
	v43 =	vld [tilespmem:s16+$0x10070];
	s18 =	sadd.s32 $0xFFFF3800, s20;
	s19 =	smul.f32 $1.562500000e-02, s19  }
0x1c4: {  	v32 =	vadd.f32 v58, v57;
	(xrf2) =	vadd.scan.msk.f32 $0xffff, v3;
	v3 =	vld [tilespmem:s30+$0x44B0];
	s18 =	smov.u32 @p0 s20;
	v41, _, _ =	vpop (xrf2);
	s21 =	smul.f32 s2, s2  }
0x1c5: {  	[tilespmem:$0x1FDC0] =	vst v18;
	s7 =	ssub.f32 $1.500000000e+00, s22;
	v61 =	vld [tilespmem:s30+$0x4510];
	v18 =	vadd.f32 v40, v16;
	s10 =	smul.f32 s4, s10;
	s16 =	sshra.s32 s18, $0x2;
	(v2sf) =	vpush v41, $0xF  }
0x1c6: {  	s14 =	smul.f32 s9, s14;
	v45 =	vld [tilespmem:s16+$0x10000];
	s22 =	ssub.f32 s19, s21  }
0x1c7: {  	[tilespmem:$0x1FE70] =	vst v0;
	s20 =	smul.f32 s7, s5;
	v32 =	vadd.f32 v18, v32;
	v51 =	vld [tilespmem:s16+$0x10010];
	v0 =	vadd.f32 v1, v2;
	s10 =	ssub.f32 $1.500000000e+00, s10;
	v60, _, _ =	vpop (xrf2)  }
0x1c8: {  	s7 =	smul.f32 s14, s9;
	v1 =	vld [tilespmem:s16+$0x10020];
	v63 =	vadd.f32 v14, v13;
	(v2sf) =	vpush v60, $0xF;
	s18 =	sadd.f32 $9.999999740e-06, s22  }
0x1c9: {  	v11 =	vmov s0;
	v2 =	vld [tilespmem:s30+$0x4530];
	v40 =	vadd.f32 v59, v56;
	s21 =	smul.f32 s4, s10;
	v56 =	vadd.f32 v43, v3  }
0x1ca: {  	v10 =	vsub.f32 v10, v11;
	v50 =	vsub.f32 v50, v11;
	(xrf2) =	vadd.scan.msk.f32 $0xffff, v32;
	v3 =	vld [tilespmem:s16+$0x10030];
	s19 =	sshra.s32 s18, $0x1;
	s5 =	smul.f32 $5.000000000e-01, s18  }
0x1cb: {  	v31 =	vadd.f32 v63, v0;
	s10 =	smul.f32 s21, s17;
	v35 =	vadd.f32 v56, v40;
	s4 =	ssub.s32 $0x5F3759DF, s19  }
0x1cc: {  	v49 =	vsub.f32 v49, v11;
	[tilespmem:$0x1FE40] =	vst v53;
	v18 =	vmul.f32 v0, v0;
	v53 =	vmul.f32 v63, v63;
	s14 =	smul.f32 s4, s5;
	s22 =	spop (v2sf)  }
0x1cd: {  	v57 =	vmul.f32 v40, v40;
	v34 =	vadd.f32 v1, v62;
	v52 =	vadd.f32 v35, v31;
	s0 =	smul.f32 $1.562500000e-02, s22  }
0x1ce: {  	s17 =	sadd.s32 $0x9B, s31;
	v58 =	vmul.f32 v56, v56;
	v1 =	vld [tilespmem:s30+$0x4580];
	v31 =	vadd.f32 v45, v19;
	v19 =	vadd.f32 v51, v61;
	s18 =	spop (v2sf);
	s22 =	smul.f32 s4, s14  }
0x1cf: {  	s7 =	ssub.f32 $1.500000000e+00, s7;
	[tilespmem:$0x1FE80] =	vst v0;
	s19 =	sshll.u32 s17, $0x6;
	v16, _, _ =	vpop (xrf2);
	v0 =	vadd.f32 v3, v2;
	v2 =	vadd.f32 v53, v18;
	v53 =	vld [tilespmem:s30+$0x4590];
	s16 =	smul.f32 $1.562500000e-02, s18  }
0x1d0: {  	v37 =	vmul.f32 s15, v4;
	p0 =	slt.u32 s17, $0xC8;
	s17 =	sadd.s32 $0xFFFFCE00, s19;
	v3 =	vadd.f32 v58, v57;
	(v2sf) =	vpush v16, $0xF;
	(xrf2) =	vadd.scan.msk.f32 $0xffff, v52;
	v16 =	vld [tilespmem:s30+$0x45A0];
	s18 =	smul.f32 s0, s0  }
0x1d1: {  	v60 =	vmul.f32 s15, v5;
	s10 =	smul.f32 s10, s21;
	[tilespmem:$0x1FEA0] =	vst v19;
	s17 =	smov.u32 @p0 s19;
	v45 =	vadd.f32 v19, v31;
	v12 =	vmul.f32 v19, v19;
	v19 =	vld [tilespmem:s30+$0x45B0];
	s19 =	ssub.f32 $1.500000000e+00, s22  }
0x1d2: {  	v61 =	vmul.f32 s15, v6;
	s14 =	smul.f32 s7, s9;
	v29 =	vld [tilespmem:s17+$0x10000];
	v35 =	vadd.f32 v0, v34;
	v2 =	vadd.f32 v3, v2;
	s22 =	sand.u32 $0x3E80, s17;
	s16 =	ssub.f32 s16, s18  }
0x1d3: {  	v11 =	vsub.f32 v44, v11;
	[tilespmem:$0x1FEB0] =	vst v0;
	s7 =	sadd.s32 $0x9C, s31;
	v14 =	vmul.f32 v0, v0;
	v0 =	vmul.f32 v37, v10;
	v3 =	vld [tilespmem:s22+$0x10050];
	s17 =	smul.f32 s4, s19  }
0x1d4: {  	v43 =	vmul.f32 v31, v31;
	v28, _, _ =	vpop (xrf2);
	v41 =	vadd.f32 v35, v45;
	(xrf2) =	vadd.scan.msk.f32 $0xffff, v2;
	v2 =	vmul.f32 v34, v34;
	v13 =	vld [tilespmem:s22+$0x10060];
	s4 =	sshll.u32 s7, $0x8;
	s16 =	sadd.f32 $9.999999740e-06, s16;
	s9 =	spop (v2sf)  }
0x1d5: {  	v37 =	vmul.f32 s13, v4;
	p0 =	slt.u32 s7, $0xC8;
	[tilespmem:$0x1FDD0] =	vst v0;
	v0 =	vmul.f32 v60, v50;
	(v2sf) =	vpush v28, $0xF;
	v59 =	vld [tilespmem:s22+$0x10070];
	s7 =	sadd.s32 $0xFFFF3800, s4;
	s9 =	smul.f32 $1.562500000e-02, s9  }
0x1d6: {  	v18 =	vadd.f32 v12, v43;
	v50 =	vld [tilespmem:s30+$0x4610];
	v28 =	vmov s11;
	(xrf2) =	vadd.scan.msk.f32 $0xffff, v41;
	v2 =	vadd.f32 v14, v2;
	s7 =	smov.u32 @p0 s4;
	s19 =	smul.f32 $5.000000000e-01, s16;
	s16 =	sshra.s32 s16, $0x1  }
0x1d7: {  	[tilespmem:$0x1FDE0] =	vst v0;
	v0 =	vmul.f32 v61, v49;
	v49 =	vld [tilespmem:s30+$0x4600];
	v47 =	vsub.f32 v47, v28;
	v48 =	vsub.f32 v48, v28;
	s22 =	spop (v2sf);
	s4 =	ssub.s32 $0x5F3759DF, s16;
	s16 =	smul.f32 s9, s9  }
0x1d8: {  	v12 =	vmul.f32 s13, v5;
	v45 =	vadd.f32 v29, v1;
	v1 =	vld [tilespmem:s30+$0x4620];
	v2 =	vadd.f32 v2, v18;
	s7 =	sshra.s32 s7, $0x2;
	s18 =	smul.f32 $1.562500000e-02, s22  }
0x1d9: {  	v35 =	vmul.f32 s15, v7;
	v8 =	vsub.f32 v8, v28;
	v10 =	vld [tilespmem:s7+$0x10000];
	v43 =	vadd.f32 v3, v53;
	s22 =	smul.f32 s4, s19  }
0x1da: {  	s5 =	smul.f32 s17, s5;
	v58 =	vmul.f32 v37, v47;
	(xrf2) =	vadd.scan.msk.f32 $0xffff, v2;
	v2 =	vld [tilespmem:s7+$0x10010];
	v47 =	vadd.f32 v13, v16;
	v44 =	vadd.f32 v59, v19;
	v3, _, _ =	vpop (xrf2);
	s16 =	ssub.f32 s18, s16  }
0x1db: {  	s10 =	ssub.f32 $1.500000000e+00, s10;
	v57 =	vmul.f32 v35, v11;
	v18 =	vmul.f32 v45, v45;
	v41 =	vld [tilespmem:s7+$0x10020];
	(v2sf) =	vpush v3, $0xF;
	s11 =	smul.f32 s4, s22  }
0x1dc: {  	[tilespmem:$0x1FE90] =	vst v63;
	v13 =	vld [tilespmem:s30+$0x4630];
	v3 =	vadd.f32 v43, v45;
	v16 =	vadd.f32 v44, v47;
	v19 =	vmul.f32 v43, v43;
	s18 =	sadd.f32 $9.999999740e-06, s16  }
0x1dd: {  	v9 =	vsub.f32 v9, v28;
	[tilespmem:$0x1FDF0] =	vst v0;
	v62 =	vld [tilespmem:s7+$0x10030];
	v63 =	vmul.f32 v47, v47;
	v0 =	vmul.f32 v44, v44;
	s16 =	smul.f32 s5, s17;
	s5 =	ssub.f32 $1.500000000e+00, s11;
	s11 =	sadd.s32 $0x9D, s31  }
0x1de: {  	s21 =	smul.f32 s10, s21;
	v29 =	vmul.f32 s13, v6;
	v14, _, _ =	vpop (xrf2);
	v53 =	vadd.f32 v16, v3;
	v61 =	vadd.f32 v19, v18;
	s10 =	sshll.u32 s11, $0x6  }
0x1df: {  	v35 =	vld [tilespmem:s30+$0x4690];
	v32 =	vmul.f32 v12, v48;
	v0 =	vadd.f32 v0, v63;
	(v2sf) =	vpush v14, $0xF;
	p0 =	slt.u32 s11, $0xC8;
	s22 =	sshra.s32 s18, $0x1;
	s15 =	smul.f32 $5.000000000e-01, s18  }
0x1e0: {  	v60 =	vmul.f32 v29, v8;
	v59 =	vld [tilespmem:s30+$0x4680];
	v51 =	vadd.f32 v10, v49;
	v48 =	vadd.f32 v2, v50;
	v28, _, _ =	vpop (xrf2);
	s7 =	sadd.s32 $0xFFFFCE00, s10;
	s5 =	smul.f32 s4, s5;
	s18 =	ssub.s32 $0x5F3759DF, s22  }
0x1e1: {  	v8 =	vmul.f32 s13, v7;
	v50 =	vadd.f32 v41, v1;
	s11 =	spop (v2sf);
	(v2sf) =	vpush v28, $0xF;
	v28 =	vmovc v4;
	v4 =	vld [tilespmem:s30+$0x46A0];
	s7 =	smov.u32 @p0 s10;
	s22 =	smul.f32 s18, s15  }
0x1e2: {  	v49 =	vadd.f32 v62, v13;
	v0 =	vadd.f32 v0, v61;
	s11 =	smul.f32 $1.562500000e-02, s11;
	v3 =	vld [tilespmem:s7+$0x10000];
	s7 =	sand.u32 $0x3F00, s7  }
0x1e3: {  	v19 =	vmov s12;
	(xrf2) =	vadd.scan.msk.f32 $0xffff, v53;
	v61 =	vmul.f32 v8, v9;
	v12 =	vmul.f32 v51, v51;
	v1 =	vld [tilespmem:s7+$0x10060];
	s4 =	smul.f32 s18, s22  }
0x1e4: {  	v18 =	vld [tilespmem:s30+$0x46B0];
	v13 =	vmul.f32 v48, v48;
	v8 =	vadd.f32 v49, v50;
	(xrf2) =	vadd.scan.msk.f32 $0xffff, v0;
	v0 =	vadd.f32 v48, v51;
	s13 =	smul.f32 s11, s11;
	v62, _, _ =	vpop (xrf2);
	s22 =	spop (v2sf)  }
0x1e5: {  	v16 =	vmul.f32 v50, v50;
	v2 =	vld [tilespmem:s7+$0x10050];
	(v2sf) =	vpush v62, $0xF;
	v62 =	vmul.f32 v49, v49;
	s10 =	smul.f32 $1.562500000e-02, s22;
	s4 =	ssub.f32 $1.500000000e+00, s4  }
0x1e6: {  	s19 =	smul.f32 s5, s19;
	v11 =	vadd.f32 v13, v12;
	v13 =	vmul.f32 s20, v5;
	v14 =	vld [tilespmem:s7+$0x10070];
	s7 =	ssub.f32 $1.500000000e+00, s16;
	v8 =	vadd.f32 v8, v0;
	s22 =	sadd.s32 $0x9E, s31  }
0x1e7: {  	v29 =	vmovc v5;
	v5 =	vld [tilespmem:s30+$0x4700];
	v0 =	vsub.f32 v39, v19;
	v10 =	vadd.f32 v62, v16;
	v62 =	vmul.f32 s20, v28;
	s10 =	ssub.f32 s10, s13;
	s13 =	sshll.u32 s22, $0x8;
	s4 =	smul.f32 s18, s4  }
0x1e8: {  	v12 =	vsub.f32 v38, v19;
	s16 =	smul.f32 s19, s5;
	p0 =	slt.u32 s22, $0xC8;
	s18 =	sadd.s32 $0xFFFF3800, s13;
	v38 =	vadd.f32 v1, v4;
	v1 =	vld [tilespmem:s30+$0x4710]  }
0x1e9: {  	v30 =	vsub.f32 v30, v19;
	(xrf2) =	vadd.scan.msk.f32 $0xffff, v8;
	v37 =	vadd.f32 v3, v59;
	v62 =	vmul.f32 v62, v0;
	v0 =	vld [tilespmem:s30+$0x4720];
	s18 =	smov.u32 @p0 s13;
	s22 =	smul.f32 s4, s15  }
0x1ea: {  	v63 =	vmul.f32 v13, v12;
	s17 =	smul.f32 s7, s17;
	v10 =	vadd.f32 v10, v11;
	v39 =	vadd.f32 v2, v35;
	v11 =	vld [tilespmem:s30+$0x4730];
	s15 =	sadd.f32 $9.999999740e-06, s10;
	s10 =	sshra.s32 s18, $0x2  }
0x1eb: {  	v8 =	vmul.f32 s20, v6;
	v41 =	vadd.f32 v14, v18;
	v4 =	vsub.f32 v36, v19;
	v19 =	vmovc v6;
	s18 =	ssub.f32 $1.500000000e+00, s16;
	v3 =	vld [tilespmem:s10+$0x10000];
	s12 =	smul.f32 s22, s4  }
0x1ec: {  	v18 =	vmovc v7;
	v36 =	vmul.f32 v37, v37;
	v9 =	vadd.f32 v39, v37;
	v35 =	vmul.f32 v39, v39;
	v7 =	vld [tilespmem:s10+$0x10020];
	s22 =	sshra.s32 s15, $0x1;
	s19 =	smul.f32 $5.000000000e-01, s15  }
0x1ed: {  	v12, _, _ =	vpop (xrf2);
	v14 =	vadd.f32 v41, v38;
	v13 =	vmul.f32 v38, v38;
	v6 =	vmul.f32 v41, v41;
	v53 =	vld [tilespmem:s10+$0x10010];
	s15 =	smul.f32 s18, s5;
	s7 =	ssub.s32 $0x5F3759DF, s22  }
0x1ee: {  	(xrf2) =	vadd.scan.msk.f32 $0xffff, v10;
	(v2sf) =	vpush v12, $0xF;
	s16 =	spop (v2sf);
	v16 =	vmul.f32 v8, v4;
	v8 =	vadd.f32 v35, v36;
	v35 =	vld [tilespmem:s10+$0x10030];
	s18 =	smul.f32 s7, s19  }
0x1ef: {  	v59, _, _ =	vpop (xrf2);
	v9 =	vadd.f32 v14, v9;
	v14 =	vmul.f32 s20, v18;
	v6 =	vadd.f32 v6, v13;
	s13 =	ssub.f32 $1.500000000e+00, s12;
	s12 =	smul.f32 $1.562500000e-02, s16  }
0x1f0: {  	(v2sf) =	vpush v59, $0xF;
	v59 =	vmov s1;
	s22 =	smul.f32 s7, s18;
	v36 =	vadd.f32 v3, v5  }
0x1f1: {  	s20 =	sadd.s32 $0x9F, s31;
	v13 =	vmul.f32 s14, v28;
	(xrf2) =	vadd.scan.msk.f32 $0xffff, v9;
	s13 =	smul.f32 s13, s4;
	s18 =	spop (v2sf);
	v3 =	vsub.f32 v46, v59;
	v46 =	vadd.f32 v7, v0;
	v0 =	vld [tilespmem:$0x1FDB0]  }
0x1f2: {  	v6 =	vadd.f32 v6, v8;
	v8 =	vsub.f32 v22, v59;
	v5 =	vmul.f32 s14, v29;
	s4 =	ssub.f32 $1.500000000e+00, s22;
	s22 =	smul.f32 $1.562500000e-02, s18;
	s18 =	sshll.u32 s20, $0x6  }
0x1f3: {  	v10 =	vld [tilespmem:s30+$0x4780];
	p0 =	slt.u32 s20, $0xC8;
	v14 =	vmul.f32 v14, v30;
	v30 =	vadd.f32 v53, v1;
	v1, _, _ =	vpop (xrf2);
	v35 =	vadd.f32 v35, v11;
	s16 =	sadd.s32 $0xFFFFCE00, s18  }
0x1f4: {  	s31 =	smul.f32 s12, s12;
	(v2sf) =	vpush v1, $0xF;
	v12 =	vmul.f32 v5, v3;
	v5 =	vld [tilespmem:s30+$0x4790];
	s16 =	smov.u32 @p0 s18  }
0x1f5: {  	v13 =	vmul.f32 v13, v8;
	(xrf2) =	vadd.scan.msk.f32 $0xffff, v6;
	s10 =	spop (v2sf);
	v52 =	vadd.f32 v30, v36;
	v22 =	vadd.f32 v35, v46;
	v8 =	vld [tilespmem:s16+$0x10000]  }
0x1f6: {  	v1 =	vmul.f32 s14, v19;
	v3 =	vsub.f32 v15, v59;
	s5 =	smul.f32 s7, s4;
	s7 =	ssub.f32 s22, s31;
	v6 =	vsub.f32 v0, v59;
	v59 =	vld [tilespmem:s30+$0x47A0]  }
0x1f7: {  	v11 =	vmul.f32 s14, v18;
	v53 =	vmul.f32 v36, v36;
	s18 =	spop (v2sf);
	s20 =	sor.u32 $0x50, s16;
	v22 =	vadd.f32 v22, v52;
	v52 =	vld [tilespmem:s30+$0x47B0]  }
0x1f8: {  	v2 =	vmul.f32 v30, v30;
	v15, _, _ =	vpop (xrf2);
	v9 =	vmul.f32 v1, v3;
	v3 =	vmov s3;
	s4 =	sadd.f32 $9.999999740e-06, s7;
	s7 =	smul.f32 $1.562500000e-02, s18;
	v7 =	vld [tilespmem:s20+$0x10000];
	s18 =	sor.u32 $0x60, s16  }
0x1f9: {  	v1 =	vmul.f32 v46, v46;
	(v2sf) =	vpush v15, $0xF;
	v0 =	vmul.f32 v35, v35;
	v15 =	vld [tilespmem:s18+$0x10000];
	s18 =	sor.u32 $0x70, s16  }
0x1fa: {  	v2 =	vadd.f32 v2, v53;
	v27 =	vsub.f32 v27, v3;
	v4 =	vld [tilespmem:s18+$0x10000]  }
0x1fb: {  	v6 =	vmul.f32 v11, v6;
	v11 =	vsub.f32 v23, v3;
	v0 =	vadd.f32 v0, v1;
	v23, _, _ =	vpop (xrf2)  }
0x1fc: {  	v24 =	vsub.f32 v24, v3;
	(v2sf) =	vpush v23, $0xF;
	v23 =	vmul.f32 s21, v28  }
0x1fd: {  	v3 =	vsub.f32 v17, v3;
	v1 =	vmul.f32 s21, v29;
	v0 =	vadd.f32 v0, v2  }
0x1fe: {  	v27 =	vmul.f32 v23, v27;
	v23 =	vadd.f32 v8, v10;
	v17 =	vadd.f32 v7, v5  }
0x1ff: {  	v1 =	vmul.f32 v1, v24;
	v15 =	vadd.f32 v15, v59;
	v24 =	vadd.f32 v4, v52;
	v4, _, _ =	vpop (xrf2)  }
0x200: {  	v59 =	vld [tilespmem:$0x1FDC0];
	v5 =	vmul.f32 v17, v17;
	(v2sf) =	vpush v4, $0xF;
	v4 =	vmul.f32 v23, v23  }
0x201: {  	v8 =	vmov s2;
	v2 =	vmul.f32 v15, v15;
	v7 =	vmul.f32 v24, v24  }
0x202: {  	(xrf2) =	vadd.scan.msk.f32 $0xffff, v22;
	v22 =	vsub.f32 v54, v8;
	v52 =	vadd.f32 v24, v15  }
0x203: {  	v4 =	vadd.f32 v5, v4;
	v5 =	vmul.f32 s21, v19;
	v2 =	vadd.f32 v7, v2  }
0x204: {  	s1 =	smul.f32 $1.562500000e-02, s10;
	v7 =	vsub.f32 v25, v8;
	v25 =	vadd.f32 v17, v23  }
0x205: {  	v5 =	vmul.f32 v5, v11;
	v11 =	vsub.f32 v55, v8;
	v8 =	vsub.f32 v59, v8;
	v59 =	vld [tilespmem:$0x1FDE0]  }
0x206: {  	s22 =	smul.f32 s1, s1;
	(xrf2) =	vadd.scan.msk.f32 $0xffff, v0;
	v0 =	vadd.f32 v52, v25;
	v25 =	vld [tilespmem:$0x1FFE0]  }
0x207: {  	v53 =	vmul.f32 s21, v18;
	s31 =	sshra.s32 s4, $0x1;
	s4 =	smul.f32 $5.000000000e-01, s4;
	v52 =	vadd.f32 v57, v42;
	v57 =	vld [tilespmem:$0x1FFD0]  }
0x208: {  	s19 =	smul.f32 s5, s19;
	s7 =	ssub.f32 s7, s22;
	s3 =	ssub.s32 $0x5F3759DF, s31;
	v54 =	vld [tilespmem:$0x1FFD0];
	v2 =	vadd.f32 v2, v4;
	v4 =	vmul.f32 s17, v29  }
0x209: {  	v3 =	vmul.f32 v53, v3;
	s14 =	smul.f32 s3, s4;
	v55 =	vld [tilespmem:$0x1FDD0]  }
0x20a: {  	s31 =	smul.f32 s19, s5;
	v53 =	vmul.f32 s17, v28;
	s7 =	sadd.f32 $9.999999740e-06, s7;
	v4 =	vmul.f32 v4, v11;
	v11 =	vld [tilespmem:$0x1FFF0]  }
0x20b: {  	s14 =	smul.f32 s3, s14;
	v25 =	vadd.f32 v59, v25;
	v59 =	vld [tilespmem:$0x1FDF0]  }
0x20c: {  	s22 =	sshra.s32 s7, $0x1;
	s20 =	smul.f32 $5.000000000e-01, s7;
	v7 =	vmul.f32 v53, v7;
	v53 =	vadd.f32 v58, v57;
	v57 =	vadd.f32 v61, v42;
	v61 =	vld [tilespmem:$0x1FFD0]  }
0x20d: {  	s16 =	ssub.s32 $0x5F3759DF, s22;
	s22 =	ssub.f32 $1.500000000e+00, s31  }
0x20e: {  	s18 =	ssub.f32 $1.500000000e+00, s14;
	s19 =	smul.f32 s16, s20;
	v10, _, _ =	vpop (xrf2)  }
0x20f: {  	s14 =	smul.f32 s22, s5;
	s5 =	spop (v2sf);
	(v2sf) =	vpush v10, $0xF;
	v10 =	vadd.f32 v55, v54;
	v54 =	vmul.f32 s17, v19  }
0x210: {  	v11 =	vadd.f32 v59, v11;
	v59 =	vld [tilespmem:$0x1FFF0]  }
0x211: {  	s31 =	smul.f32 s16, s19;
	v22 =	vmul.f32 v54, v22;
	v54 =	vadd.f32 v62, v61;
	v62 =	vld [tilespmem:$0x1FFE0]  }
0x212: {  	s10 =	smul.f32 s3, s18  }
0x213: {  	s3 =	ssub.f32 $1.500000000e+00, s31;
	v58 =	vld [tilespmem:$0x1FFE0]  }
0x214: {  	s4 =	smul.f32 s10, s4  }
0x215: {  	s19 =	smul.f32 s16, s3  }
0x216: {  	s7 =	spop (v2sf);
	s3 =	smul.f32 $1.562500000e-02, s5;
	v55 =	vadd.f32 v60, v59;
	v59 =	vadd.f32 v63, v62;
	v63 =	vld [tilespmem:$0x1FFF0]  }
0x217: {  	s5 =	smul.f32 $1.562500000e-02, s7  }
0x218: {  	s18 =	smul.f32 s3, s3;
	v32 =	vadd.f32 v32, v58;
	v58 =	vld [tilespmem:$0x1FFD0]  }
0x219: {  	s4 =	smul.f32 s4, s10;
	(xrf2) =	vadd.scan.msk.f32 $0xffff, v0;
	v0 =	vadd.f32 v6, v42;
	v6 =	vld [tilespmem:$0x1FE10]  }
0x21a: {  	s16 =	spop (v2sf);
	s5 =	ssub.f32 s5, s18;
	v62 =	vld [tilespmem:$0x1FE00]  }
0x21b: {  	s2 =	smul.f32 $1.562500000e-02, s16;
	s21 =	spop (v2sf);
	v16 =	vadd.f32 v16, v63;
	v63 =	vld [tilespmem:$0x1FFE0]  }
0x21c: {  	s22 =	smul.f32 $1.562500000e-02, s21;
	s5 =	sadd.f32 $9.999999740e-06, s5;
	v61 =	vld [tilespmem:$0x1FFF0]  }
0x21d: {  	(xrf2) =	vadd.scan.msk.f32 $0xffff, v2;
	v2 =	vld [tilespmem:$0x1FFD0];
	s31 =	smul.f32 s2, s2;
	[tilespmem:s30+$0xC000] =	vst v10;
	v10 =	vadd.f32 v13, v58;
	v58 =	vmul.f32 s15, v28  }
0x21e: {  	[tilespmem:s30+$0xC0B0] =	vst v57;
	v57 =	vld [tilespmem:$0x1FFD0];
	s18 =	sshra.s32 s5, $0x1;
	s21 =	smul.f32 $5.000000000e-01, s5;
	v13 =	vmov s0  }
0x21f: {  	v14 =	vadd.f32 v14, v42;
	s4 =	ssub.f32 $1.500000000e+00, s4;
	[tilespmem:s30+$0xC010] =	vst v25;
	s5 =	ssub.s32 $0x5F3759DF, s18;
	v25 =	vsub.f32 v62, v13;
	v62 =	vld [tilespmem:$0x1FE20]  }
0x220: {  	s7 =	ssub.f32 s22, s31;
	[tilespmem:s30+$0xC080] =	vst v53;
	v53 =	vmov s9;
	s22 =	smul.f32 s5, s21;
	v60 =	vmul.f32 s17, v18;
	v1 =	vadd.f32 v1, v63;
	v63 =	vld [tilespmem:$0x1FE30]  }
0x221: {  	v26 =	vsub.f32 v26, v53;
	s17 =	smul.f32 s4, s10;
	v9 =	vadd.f32 v9, v61;
	v61 =	vld [tilespmem:$0x1FFF0];
	v25 =	vmul.f32 v58, v25;
	v58, _, _ =	vpop (xrf2)  }
0x222: {  	[tilespmem:s30+$0xC130] =	vst v14;
	s18 =	spop (v2sf);
	s10 =	smul.f32 s19, s20;
	v8 =	vmul.f32 v60, v8;
	v60 =	vld [tilespmem:$0x1FFE0];
	(v2sf) =	vpush v58, $0xF;
	v58 =	vmul.f32 s13, v28  }
0x223: {  	v3 =	vadd.f32 v3, v42;
	v14 =	vmul.f32 s14, v29;
	s20 =	sadd.f32 $9.999999740e-06, s7;
	s7 =	smul.f32 s5, s22;
	[tilespmem:s30+$0xC0A0] =	vst v55;
	v55 =	vld [tilespmem:$0x1FE60]  }
0x224: {  	[tilespmem:s30+$0xC030] =	vst v52;
	v2 =	vadd.f32 v27, v2;
	s0 =	smul.f32 $1.562500000e-02, s18;
	s22 =	spop (v2sf);
	v6 =	vsub.f32 v6, v13;
	v26 =	vmul.f32 v58, v26;
	v58 =	vld [tilespmem:$0x1FE40]  }
0x225: {  	v52 =	vmul.f32 s15, v18;
	[tilespmem:s30+$0xC020] =	vst v11;
	s9 =	smul.f32 $1.562500000e-02, s22;
	v11 =	vsub.f32 v62, v13;
	v13 =	vsub.f32 v63, v13;
	v63 =	vld [tilespmem:$0x1FE50]  }
0x226: {  	v27 =	vmul.f32 s15, v19;
	v20 =	vsub.f32 v20, v53;
	[tilespmem:s30+$0xC090] =	vst v32;
	v32 =	vmul.f32 s13, v19;
	s31 =	sshra.s32 s20, $0x1;
	s20 =	smul.f32 $5.000000000e-01, s20;
	v62 =	vld [tilespmem:$0x1FFE0]  }
0x227: {  	[tilespmem:s30+$0xC100] =	vst v54;
	v54 =	vld [tilespmem:$0x1FFE0];
	s4 =	smul.f32 s10, s19;
	s10 =	ssub.s32 $0x5F3759DF, s31;
	v8 =	vadd.f32 v8, v42;
	v12 =	vadd.f32 v12, v60;
	v60 =	vmul.f32 s15, v29  }
0x228: {  	v7 =	vadd.f32 v7, v57;
	[tilespmem:s30+$0xC1A0] =	vst v9;
	s16 =	smul.f32 s10, s20;
	v11 =	vmul.f32 v27, v11;
	v27 =	vmov s11  }
0x229: {  	s7 =	ssub.f32 $1.500000000e+00, s7;
	s31 =	smul.f32 s0, s0;
	v5 =	vadd.f32 v5, v61;
	[tilespmem:s30+$0xC2B0] =	vst v8;
	v8 =	vld [tilespmem:$0x1FFE0];
	v6 =	vmul.f32 v60, v6;
	v9 =	vsub.f32 v55, v27  }
0x22a: {  	s4 =	ssub.f32 $1.500000000e+00, s4;
	s15 =	smul.f32 s10, s16;
	v13 =	vmul.f32 v52, v13;
	v52 =	vsub.f32 v58, v53;
	v53 =	vsub.f32 v63, v53;
	v63 =	vld [tilespmem:$0x1FFD0]  }
0x22b: {  	[tilespmem:s30+$0xC110] =	vst v59;
	v61 =	vmul.f32 s13, v18;
	v57, _, _ =	vpop (xrf2);
	v60 =	vmul.f32 s13, v29;
	s13 =	ssub.f32 s9, s31;
	v4 =	vadd.f32 v4, v62  }
0x22c: {  	[tilespmem:s30+$0xC220] =	vst v5;
	s15 =	ssub.f32 $1.500000000e+00, s15;
	(v2sf) =	vpush v57, $0xF;
	v6 =	vadd.f32 v6, v54;
	v54 =	vld [tilespmem:$0x1FE80];
	s11 =	smul.f32 s5, s7;
	v5 =	vmul.f32 v14, v9  }
0x22d: {  	v20 =	vmul.f32 v60, v20;
	v60 =	vmul.f32 s14, v28;
	s5 =	smul.f32 s4, s19;
	v59 =	vsub.f32 v33, v27;
	[tilespmem:s30+$0xC290] =	vst v4;
	v4 =	vld [tilespmem:$0x1FFF0]  }
0x22e: {  	[tilespmem:s30+$0xC1B0] =	vst v0;
	v57 =	vmul.f32 s14, v19;
	s7 =	sadd.f32 $9.999999740e-06, s13;
	s13 =	smul.f32 s10, s15;
	v0 =	vsub.f32 v21, v27;
	v5 =	vadd.f32 v5, v8;
	v8 =	vld [tilespmem:$0x1FFF0]  }
0x22f: {  	[tilespmem:s30+$0xC190] =	vst v12;
	s16 =	smul.f32 s11, s21;
	v62, _, _ =	vpop (xrf2);
	v12 =	vmul.f32 v60, v59;
	v59 =	vmov s12;
	v25 =	vadd.f32 v25, v63;
	v63 =	vld [tilespmem:$0x1FFF0]  }
0x230: {  	[tilespmem:s30+$0xC230] =	vst v3;
	s15 =	smul.f32 $5.000000000e-01, s7;
	v60 =	vmul.f32 s17, v28;
	v0 =	vmul.f32 v57, v0;
	(v2sf) =	vpush v62, $0xF  }
0x231: {  	[tilespmem:s30+$0xC120] =	vst v16;
	s18 =	sshra.s32 s7, $0x1;
	s7 =	smul.f32 s16, s11;
	v21 =	vsub.f32 v56, v59;
	v56 =	vmov s1;
	v16 =	vmul.f32 v32, v52  }
0x232: {  	[tilespmem:s30+$0xC310] =	vst v6;
	s10 =	smul.f32 s13, s20;
	s21 =	spop (v2sf);
	v62 =	vmul.f32 s17, v19;
	v9 =	vsub.f32 v54, v59;
	v6 =	vsub.f32 v31, v56  }
0x233: {  	[tilespmem:s30+$0xC280] =	vst v7;
	v7 =	vld [tilespmem:$0x1FFD0];
	s9 =	smul.f32 $1.562500000e-02, s21;
	s7 =	ssub.f32 $1.500000000e+00, s7;
	v4 =	vadd.f32 v16, v4;
	v0 =	vadd.f32 v0, v8;
	v8 =	vmul.f32 s5, v28  }
0x234: {  	[tilespmem:s30+$0xC200] =	vst v2;
	v55 =	vld [tilespmem:$0x1FE90];
	v3 =	vsub.f32 v40, v59;
	s10 =	smul.f32 s10, s13;
	v9 =	vmul.f32 v60, v9;
	v11 =	vadd.f32 v11, v63  }
0x235: {  	v2 =	vld [tilespmem:$0x1FE70];
	s4 =	ssub.s32 $0x5F3759DF, s18;
	v60 =	vmul.f32 s5, v19;
	s20 =	smul.f32 s7, s11;
	v6 =	vmul.f32 v8, v6;
	v8 =	vsub.f32 v34, v56;
	[tilespmem:s30+$0xC3A0] =	vst v4  }
0x236: {  	s19 =	smul.f32 s4, s15;
	v3 =	vmul.f32 v62, v3;
	v4 =	vld [tilespmem:$0x1FEB0];
	[tilespmem:s30+$0xC320] =	vst v11;
	v11 =	vmov s3  }
0x237: {  	v58 =	vld [tilespmem:$0x1FFF0];
	s18 =	smul.f32 s9, s9;
	s21 =	ssub.f32 $1.500000000e+00, s10;
	v62 =	vmul.f32 s20, v28;
	v8 =	vmul.f32 v60, v8;
	v60 =	vsub.f32 v45, v11  }
0x238: {  	[tilespmem:s30+$0xC180] =	vst v10;
	v7 =	vadd.f32 v26, v7;
	s22 =	smul.f32 s4, s19;
	v10 =	vmul.f32 v61, v53  }
0x239: {  	v14 =	vsub.f32 v55, v59;
	s7 =	smul.f32 s21, s13;
	v61 =	vmul.f32 s17, v29;
	[tilespmem:s30+$0xC420] =	vst v0;
	v0 =	vmul.f32 v62, v60;
	v62 =	vld [tilespmem:$0x1FFD0]  }
0x23a: {  	[tilespmem:s30+$0xC210] =	vst v1;
	v1 =	vmul.f32 s17, v18;
	s17 =	ssub.f32 $1.500000000e+00, s22;
	s31 =	spop (v2sf)  }
0x23b: {  	[tilespmem:s30+$0xC380] =	vst v7;
	v7 =	vld [tilespmem:$0x1FEA0];
	s16 =	smul.f32 $1.562500000e-02, s31;
	v14 =	vmul.f32 v61, v14;
	v61 =	vmul.f32 s5, v18;
	v4 =	vsub.f32 v4, v56  }
0x23c: {  	v2 =	vsub.f32 v2, v27;
	v52 =	vmov s2;
	v22 =	vadd.f32 v22, v58;
	s12 =	smul.f32 s4, s17  }
0x23d: {  	v58 =	vmul.f32 s14, v18;
	s14 =	spop (v2sf);
	v4 =	vmul.f32 v61, v4;
	v61 =	vsub.f32 v47, v11  }
0x23e: {  	v54 =	vmul.f32 s7, v29;
	s19 =	ssub.f32 s16, s18;
	s22 =	smul.f32 s12, s15;
	v47 =	vsub.f32 v48, v52;
	v6 =	vadd.f32 v6, v62  }
0x23f: {  	v2 =	vmul.f32 v58, v2;
	s1 =	smul.f32 $1.562500000e-02, s14  }
0x240: {  	v59 =	vmul.f32 s5, v29;
	v7 =	vsub.f32 v7, v56;
	s31 =	sadd.f32 $9.999999740e-06, s19;
	s13 =	smul.f32 s22, s12;
	[tilespmem:s30+$0xC500] =	vst v6;
	v6 =	vmul.f32 v54, v47;
	v54 =	vld [tilespmem:$0x1FFE0]  }
0x241: {  	[tilespmem:s30+$0xC410] =	vst v5;
	v26 =	vmul.f32 s20, v29;
	v2 =	vadd.f32 v2, v42;
	s19 =	smul.f32 s1, s1;
	s16 =	spop (v2sf);
	v5 =	vsub.f32 v43, v11  }
0x242: {  	v7 =	vmul.f32 v59, v7;
	v59 =	vld [tilespmem:$0x1FFF0];
	s4 =	smul.f32 $1.562500000e-02, s16  }
0x243: {  	[tilespmem:s30+$0xC430] =	vst v2;
	s15 =	smul.f32 $5.000000000e-01, s31;
	s17 =	sshra.s32 s31, $0x1;
	s5 =	ssub.f32 $1.500000000e+00, s13;
	v2 =	vmul.f32 v26, v5  }
0x244: {  	s18 =	ssub.s32 $0x5F3759DF, s17;
	s4 =	ssub.f32 s4, s19  }
0x245: {  	v27 =	vmul.f32 s20, v18;
	v63 =	vmul.f32 s20, v19;
	s20 =	smul.f32 s18, s15;
	v2 =	vadd.f32 v2, v54  }
0x246: {  	v53 =	vmul.f32 s7, v28;
	v55 =	vmul.f32 s7, v19;
	[tilespmem:s30+$0xC300] =	vst v25;
	s5 =	smul.f32 s5, s12;
	s4 =	sadd.f32 $9.999999740e-06, s4  }
0x247: {  	v3 =	vadd.f32 v3, v59;
	v56 =	vmul.f32 s7, v18;
	v25 =	vsub.f32 v44, v11;
	s7 =	smul.f32 s18, s20;
	[tilespmem:s30+$0xC590] =	vst v2;
	v2 =	vld [tilespmem:$0x1FFE0]  }
0x248: {  	v48 =	vsub.f32 v50, v52;
	s21 =	sshra.s32 s4, $0x1;
	s4 =	smul.f32 $5.000000000e-01, s4  }
0x249: {  	[tilespmem:s30+$0xC4A0] =	vst v3;
	v50 =	vld [tilespmem:$0x1FFE0];
	v5 =	vmul.f32 v63, v61;
	v63 =	vmov s0;
	v3 =	vmul.f32 v27, v25;
	s7 =	ssub.f32 $1.500000000e+00, s7;
	s0 =	ssub.s32 $0x5F3759DF, s21  }
0x24a: {  	v43 =	vsub.f32 v51, v52;
	v51 =	vld [tilespmem:$0x1FFF0];
	v40 =	vmul.f32 s5, v29;
	s22 =	smul.f32 s0, s4  }
0x24b: {  	v57 =	vld [tilespmem:$0x1FFE0];
	v44 =	vmul.f32 s5, v19;
	v45 =	vmul.f32 s5, v18;
	v3 =	vadd.f32 v3, v42;
	s2 =	smul.f32 s18, s7  }
0x24c: {  	v58 =	vld [tilespmem:$0x1FFD0];
	v26 =	vmul.f32 s5, v28;
	s5 =	smul.f32 s0, s22;
	v2 =	vadd.f32 v6, v2;
	v6 =	vsub.f32 v41, v63  }
0x24d: {  	v49 =	vsub.f32 v49, v52;
	v52 =	vld [tilespmem:$0x1FFD0];
	s3 =	smul.f32 s2, s15  }
0x24e: {  	v1 =	vmul.f32 v1, v21;
	v7 =	vadd.f32 v7, v50;
	[tilespmem:s30+$0xC5B0] =	vst v3;
	s5 =	ssub.f32 $1.500000000e+00, s5;
	v3 =	vmul.f32 v45, v6;
	v6 =	vld [tilespmem:$0x1FFF0]  }
0x24f: {  	v8 =	vadd.f32 v8, v51;
	s3 =	smul.f32 s3, s2  }
0x250: {  	v20 =	vadd.f32 v20, v57;
	v57 =	vld [tilespmem:$0x1FFD0];
	v1 =	vadd.f32 v1, v42;
	[tilespmem:s30+$0xC510] =	vst v7;
	s0 =	smul.f32 s0, s5  }
0x251: {  	v12 =	vadd.f32 v12, v58;
	v58 =	vld [tilespmem:$0x1FFE0];
	v7 =	vmul.f32 v55, v48;
	[tilespmem:s30+$0xC520] =	vst v8;
	v8 =	vmul.f32 v56, v49;
	s3 =	ssub.f32 $1.500000000e+00, s3  }
0x252: {  	v10 =	vadd.f32 v10, v42;
	v0 =	vadd.f32 v0, v52;
	s31 =	smul.f32 s0, s4  }
0x253: {  	[tilespmem:s30+$0xC4B0] =	vst v1;
	s2 =	smul.f32 s3, s2;
	v6 =	vadd.f32 v7, v6;
	v7 =	vadd.f32 v8, v42;
	v8 =	vld [tilespmem:$0x1FFE0]  }
0x254: {  	[tilespmem:s30+$0xC3B0] =	vst v10;
	v55 =	vsub.f32 v39, v63;
	v56 =	vld [tilespmem:$0x1FFF0];
	s3 =	smul.f32 s31, s0  }
0x255: {  	v9 =	vadd.f32 v9, v57;
	[tilespmem:s30+$0xC580] =	vst v0  }
0x256: {  	v10 =	vadd.f32 v14, v58;
	v1 =	vmul.f32 v53, v43;
	v0 =	vmul.f32 v40, v55;
	s3 =	ssub.f32 $1.500000000e+00, s3;
	[tilespmem:s30+$0xC610] =	vst v2  }
0x257: {  	v60 =	vmov s9;
	v53 =	vsub.f32 v37, v63;
	v58 =	vsub.f32 v38, v63;
	[tilespmem:s30+$0xC620] =	vst v6  }
0x258: {  	s0 =	smul.f32 s3, s0;
	v2 =	vld [tilespmem:$0x1FFF0];
	[tilespmem:s30+$0xC630] =	vst v7;
	v6 =	vsub.f32 v46, v60;
	v7 =	vmul.f32 s2, v19;
	v0 =	vadd.f32 v0, v8  }
0x259: {  	v5 =	vadd.f32 v5, v56;
	v63 =	vmov s1;
	v3 =	vadd.f32 v3, v42  }
0x25a: {  	v57 =	vld [tilespmem:$0x1FFD0];
	[tilespmem:s30+$0xC690] =	vst v0;
	v0 =	vmul.f32 v7, v6;
	v6 =	vsub.f32 v23, v63;
	v7 =	vmul.f32 s0, v28  }
0x25b: {  	v59 =	vld [tilespmem:$0x1FFD0];
	[tilespmem:s30+$0xC5A0] =	vst v5;
	v5 =	vmul.f32 v44, v58  }
0x25c: {  	v4 =	vadd.f32 v4, v42;
	[tilespmem:s30+$0xC6B0] =	vst v3;
	v3 =	vmul.f32 v7, v6;
	v6 =	vld [tilespmem:$0x1FFE0]  }
0x25d: {  	v2 =	vadd.f32 v5, v2;
	v5 =	vsub.f32 v30, v60;
	v8 =	vmul.f32 s2, v29;
	_ =	sdelay $0x1  }
0x25e: {  	v13 =	vadd.f32 v13, v42;
	[tilespmem:s30+$0xC530] =	vst v4;
	v4 =	vmul.f32 v26, v53;
	v5 =	vmul.f32 v8, v5  }
0x25f: {  	v61 =	vsub.f32 v36, v60;
	v1 =	vadd.f32 v1, v57;
	v62 =	vmul.f32 s2, v28  }
0x260: {  	[tilespmem:s30+$0xC330] =	vst v13;
	v4 =	vadd.f32 v4, v59;
	v5 =	vadd.f32 v5, v6;
	v6 =	vld [tilespmem:$0x1FFF0]  }
0x261: {  	[tilespmem:s30+$0xC600] =	vst v1;
	v1 =	vmul.f32 v62, v61  }
0x262: {  	[tilespmem:s30+$0xC680] =	vst v4;
	v4 =	vsub.f32 v35, v60;
	v8 =	vmul.f32 s2, v18  }
0x263: {  	[tilespmem:s30+$0xC390] =	vst v20;
	v1 =	vadd.f32 v1, v59  }
0x264: {  	[tilespmem:s30+$0xC6A0] =	vst v2;
	v2 =	vmul.f32 v8, v4;
	v4 =	vsub.f32 v17, v63;
	v8 =	vmul.f32 s0, v29  }
0x265: {  	[tilespmem:s30+$0xC2A0] =	vst v22;
	v0 =	vadd.f32 v0, v6  }
0x266: {  	[tilespmem:s30+$0xC700] =	vst v1;
	v1 =	vmul.f32 v8, v4;
	v8 =	vld [tilespmem:$0x1FFE0]  }
0x267: {  	[tilespmem:s30+$0xC720] =	vst v0;
	v0 =	vadd.f32 v3, v59  }
0x268: {  	[tilespmem:s30+$0xC710] =	vst v5  }
0x269: {  	v7 =	vmul.f32 s0, v18;
	v2 =	vadd.f32 v2, v42;
	v5 =	vsub.f32 v24, v63;
	[tilespmem:s30+$0xC780] =	vst v0;
	v0 =	vld [tilespmem:$0x1FFF0]  }
0x26a: {  	s28 =	sadd.s32 $0x10, s28;
	[tilespmem:s30+$0xC480] =	vst v9;
	v4 =	vsub.f32 v15, v63;
	v6 =	vmul.f32 s0, v19  }
0x26b: {  	p0 =	slt.u32 s28, $0x70;
	[tilespmem:s30+$0xC730] =	vst v2;
	v1 =	vadd.f32 v1, v8;
	v2 =	vmul.f32 v7, v5  }
.Ltmp1:
0x26c: {  	[tilespmem:s30+$0xC400] =	vst v12;
	v3 =	vmul.f32 v6, v4;
	(pc) =	sbr.rel @p0 .LBB2_5-.Ltmp1, $4  }
0x26d: {  	[tilespmem:s30+$0xC790] =	vst v1;
	v1 =	vadd.f32 v2, v42  }
0x26e: {  	[tilespmem:s30+$0xC490] =	vst v10;
	v0 =	vadd.f32 v3, v0  }
0x26f: {  	[tilespmem:s30+$0xC7B0] =	vst v1  }
0x270: {  	s29 =	sadd.s32 $0x2000, s29;
	v7 =	vmovc v18;
	v5 =	vmov v29;
	v4 =	vmov v28;
	v6 =	vmov v19;
	v3 =	vld [tilespmem:$0x1FFF0];
	[tilespmem:s30+$0xC7A0] =	vst v0  }
0x271: {  	s25 =	sadd.s32 $0x1, s25  }
0x272: {  	p0 =	sne.s32 s25, $0x19  }
.Ltmp2:
0x273: {  	s0 =	rddreg [dreg:$0x8];
	(pc) =	sbr.rel @p0 .LBB2_2-.Ltmp2, $4  }
0x274: {  	s1 =	rddreg [dreg:$0x7];
	s0 =	sadd.s32 s0, s26  }
0x275: {  	s4 =	simm.s32 $0x0;
	s31 =	simm.s32 $0xC000;
	s0 =	sshll.u32 s0, $0x4  }
0x276: {  	s24 =	sadd.s32 $0x100, s24;
	s23 =	sadd.s32 $0x100, s23;
	s0 =	sadd.s32 s1, s0  }
0x277: {  	v2 =	vmov v42;
	[hbm4b:s0+s4] =	stream.linear.scatter [tilespmem:s31], [sflag:$0x5], $0x4000, $0x38;
	[tilespmem:$0x13280] =	vst v63  }
0x278: {  	s0 =	simm.s32 $0x4  }
0x279: {  	_ =	swait.ge [sflag:s0], $0x4000  }
0x27a: {  	[sflag:s0] =	ssyncset.done $0x0  }
0x27b: {  	s1 =	simm.s32 $0x5;
	[sflag:s0] =	ssyncadd.s32 $0xFFFFC000  }
0x27c: {  	_ =	swait.ge [sflag:s1], $0x4000  }
0x27d: {  	s2 =	rddreg [dreg:$0xc]  }
0x27e: {  	s31 =	rddreg [dreg:$0xb];
	s2 =	sadd.s32 $0x1, s2  }
0x27f: {  	p0 =	sne.s32 s2, s31  }
.Ltmp3:
0x280: {  	_ = 	snop;
	(pc) =	sbr.rel @p0 .LBB2_1-.Ltmp3, $3  }
0x281: {  	_ =	sdelay $0x1  }
0x282: {  	[sflag:s1] =	ssyncset.done $0x0  }
0x283: {  	[sflag:s1] =	ssyncadd.s32 $0xFFFFC000  }
0x284: {  	_ =	sfence.sel $0x180000  }
0x285: {  	[bflag:$0x0] =	sbarrier.arrive $0xFFFF  }
0x286: {  	_ =	strace $0x90000047  }
0x287: {  	s0 =	stileid.u32;
	[bflag:$0x2] =	sbarrier.arrive $0xFFFF  }
0x288: {  	p0 =	sne.s32 s0, $0x0;
	s0 =	rddreg [dreg:$0x3]  }
0x289: {  	s0 =	sadd.s32 @!p0 $0x100000, s0  }
0x28a: {  	[sflag:s0] =	ssyncadd.tile.s32 @!p0 $0x1;
	_ =	shalt  }
.Lfunc_end2:
_tile_overlayer_lowered:
.L_overlay_start_2:
0x28b: {  	(tag) =	ssettag $0x2  }
0x28c: {  	s0 =	rddreg [dreg:$0x0];
	s2 =	stileid.u32  }
0x28d: {  	s1 =	rddreg [dreg:$0x1];
	p0 =	sne.s32 s2, $0x0  }
0x28e: {  	s3 =	rddreg [dreg:$0x2];
	[bflag:$0x3] =	sbarrier.arrive $0xFFFF;
	s2 =	simm.s32 @!p0 $0x1C06  }
0x28f: {  	[timem:s3], [sflag:s2] =	dma.local @!p0 [hbm:s0], s1  }
0x290: {  	s0 =	simm.s32 @!p0 $0x6  }
0x291: {  	_ =	swait.ge @!p0 [sflag:s0], s1  }
0x292: {  	s1 =	ssub.s32 @!p0 $0x0, s1;
	[sflag:s0] =	ssyncset.done @!p0 $0x0  }
0x293: {  	[sflag:s0] =	ssyncadd.s32 @!p0 s1  }
0x294: {  	[bflag:$0x3] =	sbarrier.arrive $0xFFFF  }
0x295: {  	_ =	shalt  }

</sc_bundles>
